<compile_context>
chip_gen: v7x
topology: tpu7x:2x2x1
jax: 0.10.2.dev20260603
libtpu: 0.0.44.dev20260713+nightly
codegen_flags: <defaults>
</compile_context>

<pallas_src>
import functools

import jax
import jax.numpy as jnp
from jax import lax
from jax.experimental import pallas as pl
from jax.experimental.pallas import tpu as pltpu
from jax.experimental.pallas import tpu_sc as plsc

N = 10000
D = 128
E = 320000

NC = 2
NS = 16
NW = NC * NS
CHUNK = 128
CPT = 80
HALF = CPT // 2
E_PAD = NW * CPT * CHUNK
NBUF = 2
N_PAD = 10112
RPT = N_PAD // NS
RPT_PIECES = (128, 128, 128, 128, 120)


def _sc_aggregate(x, src2, dst2):
    mesh = plsc.VectorSubcoreMesh(core_axis_name="c", subcore_axis_name="s")

    @functools.partial(
        pl.kernel,
        out_type=jax.ShapeDtypeStruct((NC, N_PAD, D), jnp.float32),
        mesh=mesh,
        scratch_types=[
            pltpu.VMEM((2, HALF, CHUNK), jnp.int32),
            pltpu.VMEM((HALF, CHUNK), jnp.int32),
            pltpu.VMEM((NBUF, CHUNK, D), jnp.float32),
            pltpu.VMEM_SHARED((N_PAD, D), jnp.float32),
            pltpu.SemaphoreType.DMA,
            pltpu.SemaphoreType.DMA,
        ],
    )
    def body(x_hbm, src_hbm, dst_hbm, out_hbm, src_v, dst_v, rows_v, acc,
             sem0, sem1):
        c = lax.axis_index("c")
        s = lax.axis_index("s")
        sems = (sem0, sem1)

        crow = (c * NS + s) * CPT
        pltpu.sync_copy(src_hbm.at[pl.ds(crow, HALF)], src_v.at[0])
        pltpu.sync_copy(dst_hbm.at[pl.ds(crow, HALF)], dst_v)

        z = jnp.zeros((16,), jnp.float32)

        def zero_row(i, carry):
            for k in range(D // 16):
                rows_v[0, i, pl.ds(k * 16, 16)] = z
            return carry

        lax.fori_loop(0, CHUNK, zero_row, 0)
        row0 = s * RPT
        off = 0
        for sz in RPT_PIECES:
            pltpu.sync_copy(rows_v.at[0, pl.ds(0, sz)],
                            acc.at[pl.ds(row0 + off, sz)])
            off += sz
        plsc.subcore_barrier()

        def gather(j, b):
            return pltpu.async_copy(
                x_hbm.at[src_v.at[lax.div(j, HALF), lax.rem(j, HALF)]],
                rows_v.at[b], sems[b])

        for b in range(NBUF):
            gather(jnp.int32(b), b)

        def step(t, carry):
            for b in range(NBUF):
                j = t * NBUF + b
                pltpu.make_async_copy(
                    x_hbm.at[src_v.at[lax.div(j, HALF), lax.rem(j, HALF)]],
                    rows_v.at[b], sems[b]).wait()

                @pl.when(j == HALF)
                def _():
                    pltpu.sync_copy(dst_hbm.at[pl.ds(crow + HALF, HALF)],
                                    dst_v)

                pltpu.sync_copy(rows_v.at[b], acc.at[dst_v.at[lax.rem(j, HALF)]],
                                add=True)

                @pl.when(j + NBUF == HALF)
                def _():
                    pltpu.sync_copy(src_hbm.at[pl.ds(crow + HALF, HALF)],
                                    src_v.at[1])

                @pl.when(j + NBUF < CPT)
                def _():
                    gather(j + NBUF, b)
            return carry

        lax.fori_loop(0, CPT // NBUF, step, 0)

        plsc.subcore_barrier()

        off = 0
        for sz in RPT_PIECES:
            pltpu.sync_copy(acc.at[pl.ds(row0 + off, sz)],
                            rows_v.at[0, pl.ds(0, sz)])
            pltpu.sync_copy(rows_v.at[0, pl.ds(0, sz)],
                            out_hbm.at[c, pl.ds(row0 + off, sz)])
            off += sz

    return body(x, src2, dst2)


def _mlp_body(x_ref, agg_ref, eps_ref, w1_ref, b1_ref, w2_ref, b2_ref,
              out_ref):
    h = x_ref[...] * eps_ref[0, 0] + agg_ref[0] + agg_ref[1]
    h = jnp.dot(h, w1_ref[...], preferred_element_type=jnp.float32,
                precision=lax.Precision.HIGHEST) + b1_ref[...]
    h = jnp.maximum(h, 0.0)
    out_ref[...] = jnp.dot(h, w2_ref[...], preferred_element_type=jnp.float32,
                           precision=lax.Precision.HIGHEST) + b2_ref[...]


def _mlp(x, agg2, eps, W1, b1, W2, b2):
    BR = 1000
    return pl.pallas_call(
        _mlp_body,
        grid=(N // BR,),
        in_specs=[
            pl.BlockSpec((BR, D), lambda i: (i, 0)),
            pl.BlockSpec((NC, BR, D), lambda i: (0, i, 0)),
            pl.BlockSpec(memory_space=pltpu.SMEM),
            pl.BlockSpec((D, D), lambda i: (0, 0)),
            pl.BlockSpec((1, D), lambda i: (0, 0)),
            pl.BlockSpec((D, D), lambda i: (0, 0)),
            pl.BlockSpec((1, D), lambda i: (0, 0)),
        ],
        out_specs=pl.BlockSpec((BR, D), lambda i: (i, 0)),
        out_shape=jax.ShapeDtypeStruct((N, D), jnp.float32),
    )(x, agg2, eps.reshape(1, 1), W1, b1.reshape(1, D), W2, b2.reshape(1, D))


def kernel(x, edge_index, eps, W1, b1, W2, b2):
    npad = E_PAD - E
    pad_src = jnp.zeros((npad,), jnp.int32)
    pad_dst = N + (jnp.arange(npad, dtype=jnp.int32) % (N_PAD - N))
    src2 = jnp.concatenate([edge_index[0], pad_src]).reshape(-1, CHUNK)
    dst2 = jnp.concatenate([edge_index[1], pad_dst]).reshape(-1, CHUNK)
    agg2 = _sc_aggregate(x, src2, dst2)
    return _mlp(x, agg2, eps, W1, b1, W2, b2)

# --- scband reference (transcript-rebuilt; emitter-appended) ---
"""Pipeline reference for scband-ginconv-0-p-35399120453944 (READ-ONLY COPY).

The authoritative reference and input builder live on the scoring server;
editing this copy changes nothing except your own understanding.
"""

import jax, jax.numpy as jnp
import numpy as np

N = 10000
D = 128
E = 320000

def setup_inputs(seed: int = 0) -> dict:
    key = jax.random.key(seed)
    k1, k2, k3, k4, k5, k6 = jax.random.split(key, 6)
    x = jax.random.normal(k1, (N, D), dtype=jnp.float32)
    edge_index = jax.random.randint(k2, (2, E), 0, N, dtype=jnp.int32)
    # eps_shifted = eps + 1 with eps=0 -> [1.0], stored as a length-1 trainable param
    eps = jnp.array([1.0], dtype=jnp.float32)
    # MLP params: Linear(D, D) -> ReLU -> Linear(D, D)
    scale = 1.0 / np.sqrt(D)
    W1 = jax.random.uniform(k3, (D, D), dtype=jnp.float32, minval=-scale, maxval=scale)
    b1 = jax.random.uniform(k4, (D,), dtype=jnp.float32, minval=-scale, maxval=scale)
    W2 = jax.random.uniform(k5, (D, D), dtype=jnp.float32, minval=-scale, maxval=scale)
    b2 = jax.random.uniform(k6, (D,), dtype=jnp.float32, minval=-scale, maxval=scale)
    return {"x": x, "edge_index": edge_index, "eps": eps, "W1": W1, "b1": b1, "W2": W2, "b2": b2}

def reference(x, edge_index, eps, W1, b1, W2, b2):
    # ptensors0.gather(G) with reduction 'sum': for each node i, sum features of its neighbors.
    # edge_index[0] = src, edge_index[1] = dst; scatter-add src features onto dst.
    src = edge_index[0]
    dst = edge_index[1]
    agg = jnp.zeros_like(x).at[dst].add(jnp.take(x, src, axis=0))
    # x.mult_channels(eps * ones(nc)) + gather: channel-wise scale by eps_shifted then add aggregation
    h = x * eps + agg
    # self.nn(h): Linear -> ReLU -> Linear
    h = jnp.maximum(h @ W1 + b1, 0.0)
    out = h @ W2 + b2
    return out

if __name__ == "__main__":
    import jax
    _d = setup_inputs()
    print(jax.jit(kernel)(*tuple(_d.values())))

</pallas_src>

<mosaic_0001>
#map = affine_map<(d0, d1) -> (0, 0)>
#map1 = affine_map<(d0, d1) -> (0, 0, 0)>
module attributes {stable_mosaic.version = 14 : i64} {
  func.func @body(%arg0: i32, %arg1: i32, %arg2: memref<10000x128xf32, #tpu.memory_space<hbm>>, %arg3: memref<2560x128xi32, #tpu.memory_space<hbm>>, %arg4: memref<2560x128xi32, #tpu.memory_space<hbm>>, %arg5: memref<2x10112x128xf32, #tpu.memory_space<hbm>>, %arg6: memref<2x40x128xi32, #tpu.memory_space<vmem>>, %arg7: memref<40x128xi32, #tpu.memory_space<vmem>>, %arg8: memref<2x128x128xf32, #tpu.memory_space<vmem>>, %arg9: memref<10112x128xf32, #tpu.memory_space<vmem_shared>>, %arg10: memref<!tpu.dma_semaphore, #tpu.memory_space<semaphore_mem>>, %arg11: memref<!tpu.dma_semaphore, #tpu.memory_space<semaphore_mem>>) attributes {dimension_semantics = [#tpu.dimension_semantics<core_parallel>, #tpu.dimension_semantics<subcore_parallel>], iteration_bounds = array<i64: 2, 16>, scalar_prefetch = 0 : i64, scratch_operands = 6 : i64, tpu.core_type = #tpu.core_type<sc_vector_subcore>, window_params = [{transform_indices = #map}, {transform_indices = #map}, {transform_indices = #map}, {transform_indices = #map1}]} {
    %mul3A = arith.constant 16 : i32
    %mul3A_0 = arith.muli %arg0, %mul3A : i32
    %add3A = arith.addi %mul3A_0, %arg1 : i32
    %mul3A_1 = arith.constant 80 : i32
    %mul3A_2 = arith.muli %add3A, %mul3A_1 : i32
    %run_scoped3A = arith.constant 0 : i32
    "tpu.region"() ({
      %run_scoped3A_94 = tpu.sem_alloc : memref<!tpu.dma_semaphore, #tpu.memory_space<semaphore_mem>>
      %dma_start3A_95 = arith.constant 0 : i32
      %dma_start3A_96 = arith.constant 0 : i32
      %dma_start3A_97 = tpu.memref_slice %arg6[%run_scoped3A, %dma_start3A_95, %dma_start3A_96] : memref<2x40x128xi32, #tpu.memory_space<vmem>> -> memref<1x40x128xi32, #tpu.memory_space<vmem>>
      %dma_start3A_98 = tpu.memref_squeeze %dma_start3A_97 : memref<1x40x128xi32, #tpu.memory_space<vmem>> -> memref<40x128xi32, #tpu.memory_space<vmem>>
      %dma_start3A_99 = arith.constant 0 : i32
      %dma_start3A_100 = tpu.memref_slice %arg3[%mul3A_2, %dma_start3A_99] : memref<2560x128xi32, #tpu.memory_space<hbm>> -> memref<40x128xi32, #tpu.memory_space<hbm>>
      %dma_start3A_101 = arith.constant 0 : i32
      %dma_start3A_102 = arith.constant 0 : i32
      %dma_start3A_103 = tpu.memref_slice %arg6[%run_scoped3A, %dma_start3A_101, %dma_start3A_102] : memref<2x40x128xi32, #tpu.memory_space<vmem>> -> memref<1x40x128xi32, #tpu.memory_space<vmem>>
      %dma_start3A_104 = tpu.memref_squeeze %dma_start3A_103 : memref<1x40x128xi32, #tpu.memory_space<vmem>> -> memref<40x128xi32, #tpu.memory_space<vmem>>
      %dma_start3A_105 = arith.constant 0 : i32
      %dma_start3A_106 = tpu.memref_slice %arg3[%mul3A_2, %dma_start3A_105] : memref<2560x128xi32, #tpu.memory_space<hbm>> -> memref<40x128xi32, #tpu.memory_space<hbm>>
      tpu.enqueue_dma source(%dma_start3A_106 : memref<40x128xi32, #tpu.memory_space<hbm>>) target(%dma_start3A_104 : memref<40x128xi32, #tpu.memory_space<vmem>>) target_semaphore(%run_scoped3A_94 : memref<!tpu.dma_semaphore, #tpu.memory_space<semaphore_mem>>)
      %dma_wait3A = arith.constant 0 : i32
      %dma_wait3A_107 = arith.constant 0 : i32
      %dma_wait3A_108 = tpu.memref_slice %arg6[%run_scoped3A, %dma_wait3A, %dma_wait3A_107] : memref<2x40x128xi32, #tpu.memory_space<vmem>> -> memref<1x40x128xi32, #tpu.memory_space<vmem>>
      %dma_wait3A_109 = tpu.memref_squeeze %dma_wait3A_108 : memref<1x40x128xi32, #tpu.memory_space<vmem>> -> memref<40x128xi32, #tpu.memory_space<vmem>>
      %dma_wait3A_110 = arith.constant 0 : i32
      %dma_wait3A_111 = tpu.memref_slice %arg3[%mul3A_2, %dma_wait3A_110] : memref<2560x128xi32, #tpu.memory_space<hbm>> -> memref<40x128xi32, #tpu.memory_space<hbm>>
      %dma_wait3A_112 = arith.constant 0 : i32
      %dma_wait3A_113 = arith.constant 0 : i32
      %dma_wait3A_114 = tpu.memref_slice %arg6[%run_scoped3A, %dma_wait3A_112, %dma_wait3A_113] : memref<2x40x128xi32, #tpu.memory_space<vmem>> -> memref<1x40x128xi32, #tpu.memory_space<vmem>>
      %dma_wait3A_115 = tpu.memref_squeeze %dma_wait3A_114 : memref<1x40x128xi32, #tpu.memory_space<vmem>> -> memref<40x128xi32, #tpu.memory_space<vmem>>
      %dma_wait3A_116 = arith.constant 0 : i32
      %dma_wait3A_117 = tpu.memref_slice %arg3[%mul3A_2, %dma_wait3A_116] : memref<2560x128xi32, #tpu.memory_space<hbm>> -> memref<40x128xi32, #tpu.memory_space<hbm>>
      tpu.wait_dma2 semaphore(%run_scoped3A_94 : memref<!tpu.dma_semaphore, #tpu.memory_space<semaphore_mem>>) src(%dma_wait3A_117 : memref<40x128xi32, #tpu.memory_space<hbm>>) dst(%dma_wait3A_115 : memref<40x128xi32, #tpu.memory_space<vmem>>)
      tpu.yield
    }) : () -> ()
    "tpu.region"() ({
      %run_scoped3A_94 = tpu.sem_alloc : memref<!tpu.dma_semaphore, #tpu.memory_space<semaphore_mem>>
      %dma_start3A_95 = arith.constant 0 : i32
      %dma_start3A_96 = tpu.memref_slice %arg4[%mul3A_2, %dma_start3A_95] : memref<2560x128xi32, #tpu.memory_space<hbm>> -> memref<40x128xi32, #tpu.memory_space<hbm>>
      %dma_start3A_97 = arith.constant 0 : i32
      %dma_start3A_98 = tpu.memref_slice %arg4[%mul3A_2, %dma_start3A_97] : memref<2560x128xi32, #tpu.memory_space<hbm>> -> memref<40x128xi32, #tpu.memory_space<hbm>>
      tpu.enqueue_dma source(%dma_start3A_98 : memref<40x128xi32, #tpu.memory_space<hbm>>) target(%arg7 : memref<40x128xi32, #tpu.memory_space<vmem>>) target_semaphore(%run_scoped3A_94 : memref<!tpu.dma_semaphore, #tpu.memory_space<semaphore_mem>>)
      %dma_wait3A = arith.constant 0 : i32
      %dma_wait3A_99 = tpu.memref_slice %arg4[%mul3A_2, %dma_wait3A] : memref<2560x128xi32, #tpu.memory_space<hbm>> -> memref<40x128xi32, #tpu.memory_space<hbm>>
      %dma_wait3A_100 = arith.constant 0 : i32
      %dma_wait3A_101 = tpu.memref_slice %arg4[%mul3A_2, %dma_wait3A_100] : memref<2560x128xi32, #tpu.memory_space<hbm>> -> memref<40x128xi32, #tpu.memory_space<hbm>>
      tpu.wait_dma2 semaphore(%run_scoped3A_94 : memref<!tpu.dma_semaphore, #tpu.memory_space<semaphore_mem>>) src(%dma_wait3A_101 : memref<40x128xi32, #tpu.memory_space<hbm>>) dst(%arg7 : memref<40x128xi32, #tpu.memory_space<vmem>>)
      tpu.yield
    }) : () -> ()
    %broadcast_in_dim3A = arith.constant 0.000000e+00 : f32
    %broadcast_in_dim3A_3 = vector.broadcast %broadcast_in_dim3A : f32 to vector<16xf32>
    %scan3A = arith.constant 0 : i32
    %scan3A_4 = arith.constant 0 : i32
    %scan3A_5 = arith.constant 128 : i32
    %scan3A_6 = arith.addi %scan3A_4, %scan3A_5 : i32
    %scan3A_7 = arith.constant 1 : i32
    scf.for %scan3A_94 = %scan3A_4 to %scan3A_6 step %scan3A_7  : i32 {
      %swap3A = arith.constant 0 : i32
      %swap3A_95 = arith.index_cast %swap3A : i32 to index
      %swap3A_96 = arith.index_cast %scan3A_94 : i32 to index
      %swap3A_97 = arith.constant 0 : index
      %swap3A_98 = tpu.vector_load %arg8[%swap3A_95, %swap3A_96, %swap3A_97] {strides = array<i32>} : memref<2x128x128xf32, #tpu.memory_space<vmem>>, vector<1x1x16xf32>,
      %swap3A_99 = vector.shape_cast %swap3A_98 : vector<1x1x16xf32> to vector<16xf32>
      %swap3A_100 = vector.shape_cast %broadcast_in_dim3A_3 : vector<16xf32> to vector<1x1x16xf32>
      tpu.vector_store %arg8[%swap3A_95, %swap3A_96, %swap3A_97], %swap3A_100 {strides = array<i32>} : memref<2x128x128xf32, #tpu.memory_space<vmem>>, vector<1x1x16xf32>,
      %swap3A_101 = arith.constant 0 : i32
      %swap3A_102 = arith.index_cast %swap3A_101 : i32 to index
      %swap3A_103 = arith.index_cast %scan3A_94 : i32 to index
      %swap3A_104 = arith.constant 16 : index
      %swap3A_105 = tpu.vector_load %arg8[%swap3A_102, %swap3A_103, %swap3A_104] {strides = array<i32>} : memref<2x128x128xf32, #tpu.memory_space<vmem>>, vector<1x1x16xf32>,
      %swap3A_106 = vector.shape_cast %swap3A_105 : vector<1x1x16xf32> to vector<16xf32>
      %swap3A_107 = vector.shape_cast %broadcast_in_dim3A_3 : vector<16xf32> to vector<1x1x16xf32>
      tpu.vector_store %arg8[%swap3A_102, %swap3A_103, %swap3A_104], %swap3A_107 {strides = array<i32>} : memref<2x128x128xf32, #tpu.memory_space<vmem>>, vector<1x1x16xf32>,
      %swap3A_108 = arith.constant 0 : i32
      %swap3A_109 = arith.index_cast %swap3A_108 : i32 to index
      %swap3A_110 = arith.index_cast %scan3A_94 : i32 to index
      %swap3A_111 = arith.constant 32 : index
      %swap3A_112 = tpu.vector_load %arg8[%swap3A_109, %swap3A_110, %swap3A_111] {strides = array<i32>} : memref<2x128x128xf32, #tpu.memory_space<vmem>>, vector<1x1x16xf32>,
      %swap3A_113 = vector.shape_cast %swap3A_112 : vector<1x1x16xf32> to vector<16xf32>
      %swap3A_114 = vector.shape_cast %broadcast_in_dim3A_3 : vector<16xf32> to vector<1x1x16xf32>
      tpu.vector_store %arg8[%swap3A_109, %swap3A_110, %swap3A_111], %swap3A_114 {strides = array<i32>} : memref<2x128x128xf32, #tpu.memory_space<vmem>>, vector<1x1x16xf32>,
      %swap3A_115 = arith.constant 0 : i32
      %swap3A_116 = arith.index_cast %swap3A_115 : i32 to index
      %swap3A_117 = arith.index_cast %scan3A_94 : i32 to index
      %swap3A_118 = arith.constant 48 : index
      %swap3A_119 = tpu.vector_load %arg8[%swap3A_116, %swap3A_117, %swap3A_118] {strides = array<i32>} : memref<2x128x128xf32, #tpu.memory_space<vmem>>, vector<1x1x16xf32>,
      %swap3A_120 = vector.shape_cast %swap3A_119 : vector<1x1x16xf32> to vector<16xf32>
      %swap3A_121 = vector.shape_cast %broadcast_in_dim3A_3 : vector<16xf32> to vector<1x1x16xf32>
      tpu.vector_store %arg8[%swap3A_116, %swap3A_117, %swap3A_118], %swap3A_121 {strides = array<i32>} : memref<2x128x128xf32, #tpu.memory_space<vmem>>, vector<1x1x16xf32>,
      %swap3A_122 = arith.constant 0 : i32
      %swap3A_123 = arith.index_cast %swap3A_122 : i32 to index
      %swap3A_124 = arith.index_cast %scan3A_94 : i32 to index
      %swap3A_125 = arith.constant 64 : index
      %swap3A_126 = tpu.vector_load %arg8[%swap3A_123, %swap3A_124, %swap3A_125] {strides = array<i32>} : memref<2x128x128xf32, #tpu.memory_space<vmem>>, vector<1x1x16xf32>,
      %swap3A_127 = vector.shape_cast %swap3A_126 : vector<1x1x16xf32> to vector<16xf32>
      %swap3A_128 = vector.shape_cast %broadcast_in_dim3A_3 : vector<16xf32> to vector<1x1x16xf32>
      tpu.vector_store %arg8[%swap3A_123, %swap3A_124, %swap3A_125], %swap3A_128 {strides = array<i32>} : memref<2x128x128xf32, #tpu.memory_space<vmem>>, vector<1x1x16xf32>,
      %swap3A_129 = arith.constant 0 : i32
      %swap3A_130 = arith.index_cast %swap3A_129 : i32 to index
      %swap3A_131 = arith.index_cast %scan3A_94 : i32 to index
      %swap3A_132 = arith.constant 80 : index
      %swap3A_133 = tpu.vector_load %arg8[%swap3A_130, %swap3A_131, %swap3A_132] {strides = array<i32>} : memref<2x128x128xf32, #tpu.memory_space<vmem>>, vector<1x1x16xf32>,
      %swap3A_134 = vector.shape_cast %swap3A_133 : vector<1x1x16xf32> to vector<16xf32>
      %swap3A_135 = vector.shape_cast %broadcast_in_dim3A_3 : vector<16xf32> to vector<1x1x16xf32>
      tpu.vector_store %arg8[%swap3A_130, %swap3A_131, %swap3A_132], %swap3A_135 {strides = array<i32>} : memref<2x128x128xf32, #tpu.memory_space<vmem>>, vector<1x1x16xf32>,
      %swap3A_136 = arith.constant 0 : i32
      %swap3A_137 = arith.index_cast %swap3A_136 : i32 to index
      %swap3A_138 = arith.index_cast %scan3A_94 : i32 to index
      %swap3A_139 = arith.constant 96 : index
      %swap3A_140 = tpu.vector_load %arg8[%swap3A_137, %swap3A_138, %swap3A_139] {strides = array<i32>} : memref<2x128x128xf32, #tpu.memory_space<vmem>>, vector<1x1x16xf32>,
      %swap3A_141 = vector.shape_cast %swap3A_140 : vector<1x1x16xf32> to vector<16xf32>
      %swap3A_142 = vector.shape_cast %broadcast_in_dim3A_3 : vector<16xf32> to vector<1x1x16xf32>
      tpu.vector_store %arg8[%swap3A_137, %swap3A_138, %swap3A_139], %swap3A_142 {strides = array<i32>} : memref<2x128x128xf32, #tpu.memory_space<vmem>>, vector<1x1x16xf32>,
      %swap3A_143 = arith.constant 0 : i32
      %swap3A_144 = arith.index_cast %swap3A_143 : i32 to index
      %swap3A_145 = arith.index_cast %scan3A_94 : i32 to index
      %swap3A_146 = arith.constant 112 : index
      %swap3A_147 = tpu.vector_load %arg8[%swap3A_144, %swap3A_145, %swap3A_146] {strides = array<i32>} : memref<2x128x128xf32, #tpu.memory_space<vmem>>, vector<1x1x16xf32>,
      %swap3A_148 = vector.shape_cast %swap3A_147 : vector<1x1x16xf32> to vector<16xf32>
      %swap3A_149 = vector.shape_cast %broadcast_in_dim3A_3 : vector<16xf32> to vector<1x1x16xf32>
      tpu.vector_store %arg8[%swap3A_144, %swap3A_145, %swap3A_146], %swap3A_149 {strides = array<i32>} : memref<2x128x128xf32, #tpu.memory_space<vmem>>, vector<1x1x16xf32>,
    }
    %scan3A_8 = arith.constant 128 : i32
    %mul3A_9 = arith.constant 632 : i32
    %mul3A_10 = arith.muli %arg1, %mul3A_9 : i32
    %add3A_11 = arith.constant 0 : i32
    %add3A_12 = arith.addi %mul3A_10, %add3A_11 : i32
    %run_scoped3A_13 = arith.constant 0 : i32
    "tpu.region"() ({
      %run_scoped3A_94 = tpu.sem_alloc : memref<!tpu.dma_semaphore, #tpu.memory_space<semaphore_mem>>
      %dma_start3A_95 = arith.constant 0 : i32
      %dma_start3A_96 = arith.constant 0 : i32
      %dma_start3A_97 = tpu.memref_slice %arg8[%run_scoped3A_13, %dma_start3A_95, %dma_start3A_96] : memref<2x128x128xf32, #tpu.memory_space<vmem>> -> memref<1x128x128xf32, #tpu.memory_space<vmem>>
      %dma_start3A_98 = tpu.memref_squeeze %dma_start3A_97 : memref<1x128x128xf32, #tpu.memory_space<vmem>> -> memref<128x128xf32, #tpu.memory_space<vmem>>
      %dma_start3A_99 = arith.constant 0 : i32
      %dma_start3A_100 = tpu.memref_slice %arg9[%add3A_12, %dma_start3A_99] : memref<10112x128xf32, #tpu.memory_space<vmem_shared>> -> memref<128x128xf32, #tpu.memory_space<vmem_shared>>
      %dma_start3A_101 = arith.constant 0 : i32
      %dma_start3A_102 = tpu.memref_slice %arg9[%add3A_12, %dma_start3A_101] : memref<10112x128xf32, #tpu.memory_space<vmem_shared>> -> memref<128x128xf32, #tpu.memory_space<vmem_shared>>
      %dma_start3A_103 = arith.constant 0 : i32
      %dma_start3A_104 = arith.constant 0 : i32
      %dma_start3A_105 = tpu.memref_slice %arg8[%run_scoped3A_13, %dma_start3A_103, %dma_start3A_104] : memref<2x128x128xf32, #tpu.memory_space<vmem>> -> memref<1x128x128xf32, #tpu.memory_space<vmem>>
      %dma_start3A_106 = tpu.memref_squeeze %dma_start3A_105 : memref<1x128x128xf32, #tpu.memory_space<vmem>> -> memref<128x128xf32, #tpu.memory_space<vmem>>
      tpu.enqueue_dma source(%dma_start3A_106 : memref<128x128xf32, #tpu.memory_space<vmem>>) target(%dma_start3A_102 : memref<128x128xf32, #tpu.memory_space<vmem_shared>>) target_semaphore(%run_scoped3A_94 : memref<!tpu.dma_semaphore, #tpu.memory_space<semaphore_mem>>)
      %dma_wait3A = arith.constant 0 : i32
      %dma_wait3A_107 = arith.constant 0 : i32
      %dma_wait3A_108 = tpu.memref_slice %arg8[%run_scoped3A_13, %dma_wait3A, %dma_wait3A_107] : memref<2x128x128xf32, #tpu.memory_space<vmem>> -> memref<1x128x128xf32, #tpu.memory_space<vmem>>
      %dma_wait3A_109 = tpu.memref_squeeze %dma_wait3A_108 : memref<1x128x128xf32, #tpu.memory_space<vmem>> -> memref<128x128xf32, #tpu.memory_space<vmem>>
      %dma_wait3A_110 = arith.constant 0 : i32
      %dma_wait3A_111 = tpu.memref_slice %arg9[%add3A_12, %dma_wait3A_110] : memref<10112x128xf32, #tpu.memory_space<vmem_shared>> -> memref<128x128xf32, #tpu.memory_space<vmem_shared>>
      %dma_wait3A_112 = arith.constant 0 : i32
      %dma_wait3A_113 = tpu.memref_slice %arg9[%add3A_12, %dma_wait3A_112] : memref<10112x128xf32, #tpu.memory_space<vmem_shared>> -> memref<128x128xf32, #tpu.memory_space<vmem_shared>>
      %dma_wait3A_114 = arith.constant 0 : i32
      %dma_wait3A_115 = arith.constant 0 : i32
      %dma_wait3A_116 = tpu.memref_slice %arg8[%run_scoped3A_13, %dma_wait3A_114, %dma_wait3A_115] : memref<2x128x128xf32, #tpu.memory_space<vmem>> -> memref<1x128x128xf32, #tpu.memory_space<vmem>>
      %dma_wait3A_117 = tpu.memref_squeeze %dma_wait3A_116 : memref<1x128x128xf32, #tpu.memory_space<vmem>> -> memref<128x128xf32, #tpu.memory_space<vmem>>
      tpu.wait_dma2 semaphore(%run_scoped3A_94 : memref<!tpu.dma_semaphore, #tpu.memory_space<semaphore_mem>>) src(%dma_wait3A_117 : memref<128x128xf32, #tpu.memory_space<vmem>>) dst(%dma_wait3A_113 : memref<128x128xf32, #tpu.memory_space<vmem_shared>>)
      tpu.yield
    }) : () -> ()
    %add3A_14 = arith.constant 128 : i32
    %add3A_15 = arith.addi %mul3A_10, %add3A_14 : i32
    %run_scoped3A_16 = arith.constant 0 : i32
    "tpu.region"() ({
      %run_scoped3A_94 = tpu.sem_alloc : memref<!tpu.dma_semaphore, #tpu.memory_space<semaphore_mem>>
      %dma_start3A_95 = arith.constant 0 : i32
      %dma_start3A_96 = arith.constant 0 : i32
      %dma_start3A_97 = tpu.memref_slice %arg8[%run_scoped3A_16, %dma_start3A_95, %dma_start3A_96] : memref<2x128x128xf32, #tpu.memory_space<vmem>> -> memref<1x128x128xf32, #tpu.memory_space<vmem>>
      %dma_start3A_98 = tpu.memref_squeeze %dma_start3A_97 : memref<1x128x128xf32, #tpu.memory_space<vmem>> -> memref<128x128xf32, #tpu.memory_space<vmem>>
      %dma_start3A_99 = arith.constant 0 : i32
      %dma_start3A_100 = tpu.memref_slice %arg9[%add3A_15, %dma_start3A_99] : memref<10112x128xf32, #tpu.memory_space<vmem_shared>> -> memref<128x128xf32, #tpu.memory_space<vmem_shared>>
      %dma_start3A_101 = arith.constant 0 : i32
      %dma_start3A_102 = tpu.memref_slice %arg9[%add3A_15, %dma_start3A_101] : memref<10112x128xf32, #tpu.memory_space<vmem_shared>> -> memref<128x128xf32, #tpu.memory_space<vmem_shared>>
      %dma_start3A_103 = arith.constant 0 : i32
      %dma_start3A_104 = arith.constant 0 : i32
      %dma_start3A_105 = tpu.memref_slice %arg8[%run_scoped3A_16, %dma_start3A_103, %dma_start3A_104] : memref<2x128x128xf32, #tpu.memory_space<vmem>> -> memref<1x128x128xf32, #tpu.memory_space<vmem>>
      %dma_start3A_106 = tpu.memref_squeeze %dma_start3A_105 : memref<1x128x128xf32, #tpu.memory_space<vmem>> -> memref<128x128xf32, #tpu.memory_space<vmem>>
      tpu.enqueue_dma source(%dma_start3A_106 : memref<128x128xf32, #tpu.memory_space<vmem>>) target(%dma_start3A_102 : memref<128x128xf32, #tpu.memory_space<vmem_shared>>) target_semaphore(%run_scoped3A_94 : memref<!tpu.dma_semaphore, #tpu.memory_space<semaphore_mem>>)
      %dma_wait3A = arith.constant 0 : i32
      %dma_wait3A_107 = arith.constant 0 : i32
      %dma_wait3A_108 = tpu.memref_slice %arg8[%run_scoped3A_16, %dma_wait3A, %dma_wait3A_107] : memref<2x128x128xf32, #tpu.memory_space<vmem>> -> memref<1x128x128xf32, #tpu.memory_space<vmem>>
      %dma_wait3A_109 = tpu.memref_squeeze %dma_wait3A_108 : memref<1x128x128xf32, #tpu.memory_space<vmem>> -> memref<128x128xf32, #tpu.memory_space<vmem>>
      %dma_wait3A_110 = arith.constant 0 : i32
      %dma_wait3A_111 = tpu.memref_slice %arg9[%add3A_15, %dma_wait3A_110] : memref<10112x128xf32, #tpu.memory_space<vmem_shared>> -> memref<128x128xf32, #tpu.memory_space<vmem_shared>>
      %dma_wait3A_112 = arith.constant 0 : i32
      %dma_wait3A_113 = tpu.memref_slice %arg9[%add3A_15, %dma_wait3A_112] : memref<10112x128xf32, #tpu.memory_space<vmem_shared>> -> memref<128x128xf32, #tpu.memory_space<vmem_shared>>
      %dma_wait3A_114 = arith.constant 0 : i32
      %dma_wait3A_115 = arith.constant 0 : i32
      %dma_wait3A_116 = tpu.memref_slice %arg8[%run_scoped3A_16, %dma_wait3A_114, %dma_wait3A_115] : memref<2x128x128xf32, #tpu.memory_space<vmem>> -> memref<1x128x128xf32, #tpu.memory_space<vmem>>
      %dma_wait3A_117 = tpu.memref_squeeze %dma_wait3A_116 : memref<1x128x128xf32, #tpu.memory_space<vmem>> -> memref<128x128xf32, #tpu.memory_space<vmem>>
      tpu.wait_dma2 semaphore(%run_scoped3A_94 : memref<!tpu.dma_semaphore, #tpu.memory_space<semaphore_mem>>) src(%dma_wait3A_117 : memref<128x128xf32, #tpu.memory_space<vmem>>) dst(%dma_wait3A_113 : memref<128x128xf32, #tpu.memory_space<vmem_shared>>)
      tpu.yield
    }) : () -> ()
    %add3A_17 = arith.constant 256 : i32
    %add3A_18 = arith.addi %mul3A_10, %add3A_17 : i32
    %run_scoped3A_19 = arith.constant 0 : i32
    "tpu.region"() ({
      %run_scoped3A_94 = tpu.sem_alloc : memref<!tpu.dma_semaphore, #tpu.memory_space<semaphore_mem>>
      %dma_start3A_95 = arith.constant 0 : i32
      %dma_start3A_96 = arith.constant 0 : i32
      %dma_start3A_97 = tpu.memref_slice %arg8[%run_scoped3A_19, %dma_start3A_95, %dma_start3A_96] : memref<2x128x128xf32, #tpu.memory_space<vmem>> -> memref<1x128x128xf32, #tpu.memory_space<vmem>>
      %dma_start3A_98 = tpu.memref_squeeze %dma_start3A_97 : memref<1x128x128xf32, #tpu.memory_space<vmem>> -> memref<128x128xf32, #tpu.memory_space<vmem>>
      %dma_start3A_99 = arith.constant 0 : i32
      %dma_start3A_100 = tpu.memref_slice %arg9[%add3A_18, %dma_start3A_99] : memref<10112x128xf32, #tpu.memory_space<vmem_shared>> -> memref<128x128xf32, #tpu.memory_space<vmem_shared>>
      %dma_start3A_101 = arith.constant 0 : i32
      %dma_start3A_102 = tpu.memref_slice %arg9[%add3A_18, %dma_start3A_101] : memref<10112x128xf32, #tpu.memory_space<vmem_shared>> -> memref<128x128xf32, #tpu.memory_space<vmem_shared>>
      %dma_start3A_103 = arith.constant 0 : i32
      %dma_start3A_104 = arith.constant 0 : i32
      %dma_start3A_105 = tpu.memref_slice %arg8[%run_scoped3A_19, %dma_start3A_103, %dma_start3A_104] : memref<2x128x128xf32, #tpu.memory_space<vmem>> -> memref<1x128x128xf32, #tpu.memory_space<vmem>>
      %dma_start3A_106 = tpu.memref_squeeze %dma_start3A_105 : memref<1x128x128xf32, #tpu.memory_space<vmem>> -> memref<128x128xf32, #tpu.memory_space<vmem>>
      tpu.enqueue_dma source(%dma_start3A_106 : memref<128x128xf32, #tpu.memory_space<vmem>>) target(%dma_start3A_102 : memref<128x128xf32, #tpu.memory_space<vmem_shared>>) target_semaphore(%run_scoped3A_94 : memref<!tpu.dma_semaphore, #tpu.memory_space<semaphore_mem>>)
      %dma_wait3A = arith.constant 0 : i32
      %dma_wait3A_107 = arith.constant 0 : i32
      %dma_wait3A_108 = tpu.memref_slice %arg8[%run_scoped3A_19, %dma_wait3A, %dma_wait3A_107] : memref<2x128x128xf32, #tpu.memory_space<vmem>> -> memref<1x128x128xf32, #tpu.memory_space<vmem>>
      %dma_wait3A_109 = tpu.memref_squeeze %dma_wait3A_108 : memref<1x128x128xf32, #tpu.memory_space<vmem>> -> memref<128x128xf32, #tpu.memory_space<vmem>>
      %dma_wait3A_110 = arith.constant 0 : i32
      %dma_wait3A_111 = tpu.memref_slice %arg9[%add3A_18, %dma_wait3A_110] : memref<10112x128xf32, #tpu.memory_space<vmem_shared>> -> memref<128x128xf32, #tpu.memory_space<vmem_shared>>
      %dma_wait3A_112 = arith.constant 0 : i32
      %dma_wait3A_113 = tpu.memref_slice %arg9[%add3A_18, %dma_wait3A_112] : memref<10112x128xf32, #tpu.memory_space<vmem_shared>> -> memref<128x128xf32, #tpu.memory_space<vmem_shared>>
      %dma_wait3A_114 = arith.constant 0 : i32
      %dma_wait3A_115 = arith.constant 0 : i32
      %dma_wait3A_116 = tpu.memref_slice %arg8[%run_scoped3A_19, %dma_wait3A_114, %dma_wait3A_115] : memref<2x128x128xf32, #tpu.memory_space<vmem>> -> memref<1x128x128xf32, #tpu.memory_space<vmem>>
      %dma_wait3A_117 = tpu.memref_squeeze %dma_wait3A_116 : memref<1x128x128xf32, #tpu.memory_space<vmem>> -> memref<128x128xf32, #tpu.memory_space<vmem>>
      tpu.wait_dma2 semaphore(%run_scoped3A_94 : memref<!tpu.dma_semaphore, #tpu.memory_space<semaphore_mem>>) src(%dma_wait3A_117 : memref<128x128xf32, #tpu.memory_space<vmem>>) dst(%dma_wait3A_113 : memref<128x128xf32, #tpu.memory_space<vmem_shared>>)
      tpu.yield
    }) : () -> ()
    %add3A_20 = arith.constant 384 : i32
    %add3A_21 = arith.addi %mul3A_10, %add3A_20 : i32
    %run_scoped3A_22 = arith.constant 0 : i32
    "tpu.region"() ({
      %run_scoped3A_94 = tpu.sem_alloc : memref<!tpu.dma_semaphore, #tpu.memory_space<semaphore_mem>>
      %dma_start3A_95 = arith.constant 0 : i32
      %dma_start3A_96 = arith.constant 0 : i32
      %dma_start3A_97 = tpu.memref_slice %arg8[%run_scoped3A_22, %dma_start3A_95, %dma_start3A_96] : memref<2x128x128xf32, #tpu.memory_space<vmem>> -> memref<1x128x128xf32, #tpu.memory_space<vmem>>
      %dma_start3A_98 = tpu.memref_squeeze %dma_start3A_97 : memref<1x128x128xf32, #tpu.memory_space<vmem>> -> memref<128x128xf32, #tpu.memory_space<vmem>>
      %dma_start3A_99 = arith.constant 0 : i32
      %dma_start3A_100 = tpu.memref_slice %arg9[%add3A_21, %dma_start3A_99] : memref<10112x128xf32, #tpu.memory_space<vmem_shared>> -> memref<128x128xf32, #tpu.memory_space<vmem_shared>>
      %dma_start3A_101 = arith.constant 0 : i32
      %dma_start3A_102 = tpu.memref_slice %arg9[%add3A_21, %dma_start3A_101] : memref<10112x128xf32, #tpu.memory_space<vmem_shared>> -> memref<128x128xf32, #tpu.memory_space<vmem_shared>>
      %dma_start3A_103 = arith.constant 0 : i32
      %dma_start3A_104 = arith.constant 0 : i32
      %dma_start3A_105 = tpu.memref_slice %arg8[%run_scoped3A_22, %dma_start3A_103, %dma_start3A_104] : memref<2x128x128xf32, #tpu.memory_space<vmem>> -> memref<1x128x128xf32, #tpu.memory_space<vmem>>
      %dma_start3A_106 = tpu.memref_squeeze %dma_start3A_105 : memref<1x128x128xf32, #tpu.memory_space<vmem>> -> memref<128x128xf32, #tpu.memory_space<vmem>>
      tpu.enqueue_dma source(%dma_start3A_106 : memref<128x128xf32, #tpu.memory_space<vmem>>) target(%dma_start3A_102 : memref<128x128xf32, #tpu.memory_space<vmem_shared>>) target_semaphore(%run_scoped3A_94 : memref<!tpu.dma_semaphore, #tpu.memory_space<semaphore_mem>>)
      %dma_wait3A = arith.constant 0 : i32
      %dma_wait3A_107 = arith.constant 0 : i32
      %dma_wait3A_108 = tpu.memref_slice %arg8[%run_scoped3A_22, %dma_wait3A, %dma_wait3A_107] : memref<2x128x128xf32, #tpu.memory_space<vmem>> -> memref<1x128x128xf32, #tpu.memory_space<vmem>>
      %dma_wait3A_109 = tpu.memref_squeeze %dma_wait3A_108 : memref<1x128x128xf32, #tpu.memory_space<vmem>> -> memref<128x128xf32, #tpu.memory_space<vmem>>
      %dma_wait3A_110 = arith.constant 0 : i32
      %dma_wait3A_111 = tpu.memref_slice %arg9[%add3A_21, %dma_wait3A_110] : memref<10112x128xf32, #tpu.memory_space<vmem_shared>> -> memref<128x128xf32, #tpu.memory_space<vmem_shared>>
      %dma_wait3A_112 = arith.constant 0 : i32
      %dma_wait3A_113 = tpu.memref_slice %arg9[%add3A_21, %dma_wait3A_112] : memref<10112x128xf32, #tpu.memory_space<vmem_shared>> -> memref<128x128xf32, #tpu.memory_space<vmem_shared>>
      %dma_wait3A_114 = arith.constant 0 : i32
      %dma_wait3A_115 = arith.constant 0 : i32
      %dma_wait3A_116 = tpu.memref_slice %arg8[%run_scoped3A_22, %dma_wait3A_114, %dma_wait3A_115] : memref<2x128x128xf32, #tpu.memory_space<vmem>> -> memref<1x128x128xf32, #tpu.memory_space<vmem>>
      %dma_wait3A_117 = tpu.memref_squeeze %dma_wait3A_116 : memref<1x128x128xf32, #tpu.memory_space<vmem>> -> memref<128x128xf32, #tpu.memory_space<vmem>>
      tpu.wait_dma2 semaphore(%run_scoped3A_94 : memref<!tpu.dma_semaphore, #tpu.memory_space<semaphore_mem>>) src(%dma_wait3A_117 : memref<128x128xf32, #tpu.memory_space<vmem>>) dst(%dma_wait3A_113 : memref<128x128xf32, #tpu.memory_space<vmem_shared>>)
      tpu.yield
    }) : () -> ()
    %add3A_23 = arith.constant 512 : i32
    %add3A_24 = arith.addi %mul3A_10, %add3A_23 : i32
    %run_scoped3A_25 = arith.constant 0 : i32
    "tpu.region"() ({
      %run_scoped3A_94 = tpu.sem_alloc : memref<!tpu.dma_semaphore, #tpu.memory_space<semaphore_mem>>
      %dma_start3A_95 = arith.constant 0 : i32
      %dma_start3A_96 = arith.constant 0 : i32
      %dma_start3A_97 = tpu.memref_slice %arg8[%run_scoped3A_25, %dma_start3A_95, %dma_start3A_96] : memref<2x128x128xf32, #tpu.memory_space<vmem>> -> memref<1x120x128xf32, #tpu.memory_space<vmem>>
      %dma_start3A_98 = tpu.memref_squeeze %dma_start3A_97 : memref<1x120x128xf32, #tpu.memory_space<vmem>> -> memref<120x128xf32, #tpu.memory_space<vmem>>
      %dma_start3A_99 = arith.constant 0 : i32
      %dma_start3A_100 = tpu.memref_slice %arg9[%add3A_24, %dma_start3A_99] : memref<10112x128xf32, #tpu.memory_space<vmem_shared>> -> memref<120x128xf32, #tpu.memory_space<vmem_shared>>
      %dma_start3A_101 = arith.constant 0 : i32
      %dma_start3A_102 = tpu.memref_slice %arg9[%add3A_24, %dma_start3A_101] : memref<10112x128xf32, #tpu.memory_space<vmem_shared>> -> memref<120x128xf32, #tpu.memory_space<vmem_shared>>
      %dma_start3A_103 = arith.constant 0 : i32
      %dma_start3A_104 = arith.constant 0 : i32
      %dma_start3A_105 = tpu.memref_slice %arg8[%run_scoped3A_25, %dma_start3A_103, %dma_start3A_104] : memref<2x128x128xf32, #tpu.memory_space<vmem>> -> memref<1x120x128xf32, #tpu.memory_space<vmem>>
      %dma_start3A_106 = tpu.memref_squeeze %dma_start3A_105 : memref<1x120x128xf32, #tpu.memory_space<vmem>> -> memref<120x128xf32, #tpu.memory_space<vmem>>
      tpu.enqueue_dma source(%dma_start3A_106 : memref<120x128xf32, #tpu.memory_space<vmem>>) target(%dma_start3A_102 : memref<120x128xf32, #tpu.memory_space<vmem_shared>>) target_semaphore(%run_scoped3A_94 : memref<!tpu.dma_semaphore, #tpu.memory_space<semaphore_mem>>)
      %dma_wait3A = arith.constant 0 : i32
      %dma_wait3A_107 = arith.constant 0 : i32
      %dma_wait3A_108 = tpu.memref_slice %arg8[%run_scoped3A_25, %dma_wait3A, %dma_wait3A_107] : memref<2x128x128xf32, #tpu.memory_space<vmem>> -> memref<1x120x128xf32, #tpu.memory_space<vmem>>
      %dma_wait3A_109 = tpu.memref_squeeze %dma_wait3A_108 : memref<1x120x128xf32, #tpu.memory_space<vmem>> -> memref<120x128xf32, #tpu.memory_space<vmem>>
      %dma_wait3A_110 = arith.constant 0 : i32
      %dma_wait3A_111 = tpu.memref_slice %arg9[%add3A_24, %dma_wait3A_110] : memref<10112x128xf32, #tpu.memory_space<vmem_shared>> -> memref<120x128xf32, #tpu.memory_space<vmem_shared>>
      %dma_wait3A_112 = arith.constant 0 : i32
      %dma_wait3A_113 = tpu.memref_slice %arg9[%add3A_24, %dma_wait3A_112] : memref<10112x128xf32, #tpu.memory_space<vmem_shared>> -> memref<120x128xf32, #tpu.memory_space<vmem_shared>>
      %dma_wait3A_114 = arith.constant 0 : i32
      %dma_wait3A_115 = arith.constant 0 : i32
      %dma_wait3A_116 = tpu.memref_slice %arg8[%run_scoped3A_25, %dma_wait3A_114, %dma_wait3A_115] : memref<2x128x128xf32, #tpu.memory_space<vmem>> -> memref<1x120x128xf32, #tpu.memory_space<vmem>>
      %dma_wait3A_117 = tpu.memref_squeeze %dma_wait3A_116 : memref<1x120x128xf32, #tpu.memory_space<vmem>> -> memref<120x128xf32, #tpu.memory_space<vmem>>
      tpu.wait_dma2 semaphore(%run_scoped3A_94 : memref<!tpu.dma_semaphore, #tpu.memory_space<semaphore_mem>>) src(%dma_wait3A_117 : memref<120x128xf32, #tpu.memory_space<vmem>>) dst(%dma_wait3A_113 : memref<120x128xf32, #tpu.memory_space<vmem_shared>>)
      tpu.yield
    }) : () -> ()
    %barrier3A = arith.constant 0 : index
    tpu.barrier barrier_id(%barrier3A)
    %div3A = arith.constant 0 : i32
    %div3A_26 = arith.constant 40 : i32
    %div3A_27 = arith.divsi %div3A, %div3A_26 : i32
    %rem3A = arith.constant 0 : i32
    %rem3A_28 = arith.constant 40 : i32
    %rem3A_29 = arith.remsi %rem3A, %rem3A_28 : i32
    %dma_start3A = arith.constant 0 : i32
    %dma_start3A_30 = arith.constant 0 : i32
    %dma_start3A_31 = arith.constant 0 : i32
    %dma_start3A_32 = tpu.memref_slice %arg8[%dma_start3A, %dma_start3A_30, %dma_start3A_31] : memref<2x128x128xf32, #tpu.memory_space<vmem>> -> memref<1x128x128xf32, #tpu.memory_space<vmem>>
    %dma_start3A_33 = tpu.memref_squeeze %dma_start3A_32 : memref<1x128x128xf32, #tpu.memory_space<vmem>> -> memref<128x128xf32, #tpu.memory_space<vmem>>
    %dma_start3A_34 = arith.constant 0 : i32
    %dma_start3A_35 = tpu.memref_slice %arg6[%div3A_27, %rem3A_29, %dma_start3A_34] : memref<2x40x128xi32, #tpu.memory_space<vmem>> -> memref<1x1x128xi32, #tpu.memory_space<vmem>>
    %dma_start3A_36 = tpu.memref_squeeze %dma_start3A_35 : memref<1x1x128xi32, #tpu.memory_space<vmem>> -> memref<128xi32, #tpu.memory_space<vmem>>
    %dma_start3A_37 = arith.constant 0 : i32
    %dma_start3A_38 = arith.constant 0 : i32
    %dma_start3A_39 = tpu.memref_slice %arg2[%dma_start3A_37, %dma_start3A_38] : memref<10000x128xf32, #tpu.memory_space<hbm>> -> memref<10000x128xf32, #tpu.memory_space<hbm>>
    tpu.enqueue_indirect_dma source(%dma_start3A_39 : memref<10000x128xf32, #tpu.memory_space<hbm>>) target(%dma_start3A_33 : memref<128x128xf32, #tpu.memory_space<vmem>>) offsets(%dma_start3A_36 : memref<128xi32, #tpu.memory_space<vmem>>) semaphore(%arg10 : memref<!tpu.dma_semaphore, #tpu.memory_space<semaphore_mem>>)
    %div3A_40 = arith.constant 1 : i32
    %div3A_41 = arith.constant 40 : i32
    %div3A_42 = arith.divsi %div3A_40, %div3A_41 : i32
    %rem3A_43 = arith.constant 1 : i32
    %rem3A_44 = arith.constant 40 : i32
    %rem3A_45 = arith.remsi %rem3A_43, %rem3A_44 : i32
    %dma_start3A_46 = arith.constant 1 : i32
    %dma_start3A_47 = arith.constant 0 : i32
    %dma_start3A_48 = arith.constant 0 : i32
    %dma_start3A_49 = tpu.memref_slice %arg8[%dma_start3A_46, %dma_start3A_47, %dma_start3A_48] : memref<2x128x128xf32, #tpu.memory_space<vmem>> -> memref<1x128x128xf32, #tpu.memory_space<vmem>>
    %dma_start3A_50 = tpu.memref_squeeze %dma_start3A_49 : memref<1x128x128xf32, #tpu.memory_space<vmem>> -> memref<128x128xf32, #tpu.memory_space<vmem>>
    %dma_start3A_51 = arith.constant 0 : i32
    %dma_start3A_52 = tpu.memref_slice %arg6[%div3A_42, %rem3A_45, %dma_start3A_51] : memref<2x40x128xi32, #tpu.memory_space<vmem>> -> memref<1x1x128xi32, #tpu.memory_space<vmem>>
    %dma_start3A_53 = tpu.memref_squeeze %dma_start3A_52 : memref<1x1x128xi32, #tpu.memory_space<vmem>> -> memref<128xi32, #tpu.memory_space<vmem>>
    %dma_start3A_54 = arith.constant 0 : i32
    %dma_start3A_55 = arith.constant 0 : i32
    %dma_start3A_56 = tpu.memref_slice %arg2[%dma_start3A_54, %dma_start3A_55] : memref<10000x128xf32, #tpu.memory_space<hbm>> -> memref<10000x128xf32, #tpu.memory_space<hbm>>
    tpu.enqueue_indirect_dma source(%dma_start3A_56 : memref<10000x128xf32, #tpu.memory_space<hbm>>) target(%dma_start3A_50 : memref<128x128xf32, #tpu.memory_space<vmem>>) offsets(%dma_start3A_53 : memref<128xi32, #tpu.memory_space<vmem>>) semaphore(%arg11 : memref<!tpu.dma_semaphore, #tpu.memory_space<semaphore_mem>>)
    %scan3A_57 = arith.constant 0 : i32
    %scan3A_58 = arith.constant 0 : i32
    %scan3A_59 = arith.constant 40 : i32
    %scan3A_60 = arith.addi %scan3A_58, %scan3A_59 : i32
    %scan3A_61 = arith.constant 1 : i32
    scf.for %scan3A_94 = %scan3A_58 to %scan3A_60 step %scan3A_61  : i32 {
      %mul3A_95 = arith.constant 2 : i32
      %mul3A_96 = arith.muli %scan3A_94, %mul3A_95 : i32
      %add3A_97 = arith.constant 0 : i32
      %add3A_98 = arith.addi %mul3A_96, %add3A_97 : i32
      %div3A_99 = arith.constant 40 : i32
      %div3A_100 = arith.divsi %add3A_98, %div3A_99 : i32
      %rem3A_101 = arith.constant 40 : i32
      %rem3A_102 = arith.remsi %add3A_98, %rem3A_101 : i32
      %dma_wait3A = arith.constant 0 : i32
      %dma_wait3A_103 = arith.constant 0 : i32
      %dma_wait3A_104 = arith.constant 0 : i32
      %dma_wait3A_105 = tpu.memref_slice %arg8[%dma_wait3A, %dma_wait3A_103, %dma_wait3A_104] : memref<2x128x128xf32, #tpu.memory_space<vmem>> -> memref<1x128x128xf32, #tpu.memory_space<vmem>>
      %dma_wait3A_106 = tpu.memref_squeeze %dma_wait3A_105 : memref<1x128x128xf32, #tpu.memory_space<vmem>> -> memref<128x128xf32, #tpu.memory_space<vmem>>
      %dma_wait3A_107 = arith.constant 0 : i32
      %dma_wait3A_108 = tpu.memref_slice %arg6[%div3A_100, %rem3A_102, %dma_wait3A_107] : memref<2x40x128xi32, #tpu.memory_space<vmem>> -> memref<1x1x128xi32, #tpu.memory_space<vmem>>
      %dma_wait3A_109 = tpu.memref_squeeze %dma_wait3A_108 : memref<1x1x128xi32, #tpu.memory_space<vmem>> -> memref<128xi32, #tpu.memory_space<vmem>>
      %dma_wait3A_110 = arith.constant 0 : i32
      %dma_wait3A_111 = arith.constant 0 : i32
      %dma_wait3A_112 = tpu.memref_slice %arg2[%dma_wait3A_110, %dma_wait3A_111] : memref<10000x128xf32, #tpu.memory_space<hbm>> -> memref<10000x128xf32, #tpu.memory_space<hbm>>
      tpu.wait_indirect_dma semaphore(%arg10 : memref<!tpu.dma_semaphore, #tpu.memory_space<semaphore_mem>>) src(%dma_wait3A_112 : memref<10000x128xf32, #tpu.memory_space<hbm>>) dst(%dma_wait3A_106 : memref<128x128xf32, #tpu.memory_space<vmem>>)
      %eq3A = arith.constant 40 : i32
      %eq3A_113 = arith.cmpi eq, %add3A_98, %eq3A : i32
      %convert_element_type3A = arith.extui %eq3A_113 : i1 to i32
      %cond3A = arith.constant 0 : i32
      %cond3A_114 = arith.cmpi ne, %convert_element_type3A, %cond3A : i32
      scf.if %cond3A_114 {
        %add3A_172 = arith.constant 40 : i32
        %add3A_173 = arith.addi %mul3A_2, %add3A_172 : i32
        "tpu.region"() ({
          %run_scoped3A_174 = tpu.sem_alloc : memref<!tpu.dma_semaphore, #tpu.memory_space<semaphore_mem>>
          %dma_start3A_175 = arith.constant 0 : i32
          %dma_start3A_176 = tpu.memref_slice %arg4[%add3A_173, %dma_start3A_175] : memref<2560x128xi32, #tpu.memory_space<hbm>> -> memref<40x128xi32, #tpu.memory_space<hbm>>
          %dma_start3A_177 = arith.constant 0 : i32
          %dma_start3A_178 = tpu.memref_slice %arg4[%add3A_173, %dma_start3A_177] : memref<2560x128xi32, #tpu.memory_space<hbm>> -> memref<40x128xi32, #tpu.memory_space<hbm>>
          tpu.enqueue_dma source(%dma_start3A_178 : memref<40x128xi32, #tpu.memory_space<hbm>>) target(%arg7 : memref<40x128xi32, #tpu.memory_space<vmem>>) target_semaphore(%run_scoped3A_174 : memref<!tpu.dma_semaphore, #tpu.memory_space<semaphore_mem>>)
          %dma_wait3A_179 = arith.constant 0 : i32
          %dma_wait3A_180 = tpu.memref_slice %arg4[%add3A_173, %dma_wait3A_179] : memref<2560x128xi32, #tpu.memory_space<hbm>> -> memref<40x128xi32, #tpu.memory_space<hbm>>
          %dma_wait3A_181 = arith.constant 0 : i32
          %dma_wait3A_182 = tpu.memref_slice %arg4[%add3A_173, %dma_wait3A_181] : memref<2560x128xi32, #tpu.memory_space<hbm>> -> memref<40x128xi32, #tpu.memory_space<hbm>>
          tpu.wait_dma2 semaphore(%run_scoped3A_174 : memref<!tpu.dma_semaphore, #tpu.memory_space<semaphore_mem>>) src(%dma_wait3A_182 : memref<40x128xi32, #tpu.memory_space<hbm>>) dst(%arg7 : memref<40x128xi32, #tpu.memory_space<vmem>>)
          tpu.yield
        }) : () -> ()
      } else {
      }
      %rem3A_115 = arith.constant 40 : i32
      %rem3A_116 = arith.remsi %add3A_98, %rem3A_115 : i32
      %run_scoped3A_117 = arith.constant 0 : i32
      "tpu.region"() ({
        %run_scoped3A_172 = tpu.sem_alloc : memref<!tpu.dma_semaphore, #tpu.memory_space<semaphore_mem>>
        %dma_start3A_173 = arith.constant 0 : i32
        %dma_start3A_174 = arith.constant 0 : i32
        %dma_start3A_175 = tpu.memref_slice %arg8[%run_scoped3A_117, %dma_start3A_173, %dma_start3A_174] : memref<2x128x128xf32, #tpu.memory_space<vmem>> -> memref<1x128x128xf32, #tpu.memory_space<vmem>>
        %dma_start3A_176 = tpu.memref_squeeze %dma_start3A_175 : memref<1x128x128xf32, #tpu.memory_space<vmem>> -> memref<128x128xf32, #tpu.memory_space<vmem>>
        %dma_start3A_177 = arith.constant 0 : i32
        %dma_start3A_178 = tpu.memref_slice %arg7[%rem3A_116, %dma_start3A_177] : memref<40x128xi32, #tpu.memory_space<vmem>> -> memref<1x128xi32, #tpu.memory_space<vmem>>
        %dma_start3A_179 = tpu.memref_squeeze %dma_start3A_178 : memref<1x128xi32, #tpu.memory_space<vmem>> -> memref<128xi32, #tpu.memory_space<vmem>>
        %dma_start3A_180 = arith.constant 0 : i32
        %dma_start3A_181 = arith.constant 0 : i32
        %dma_start3A_182 = tpu.memref_slice %arg9[%dma_start3A_180, %dma_start3A_181] : memref<10112x128xf32, #tpu.memory_space<vmem_shared>> -> memref<10112x128xf32, #tpu.memory_space<vmem_shared>>
        tpu.enqueue_indirect_dma source(%dma_start3A_176 : memref<128x128xf32, #tpu.memory_space<vmem>>) target(%dma_start3A_182 : memref<10112x128xf32, #tpu.memory_space<vmem_shared>>) offsets(%dma_start3A_179 : memref<128xi32, #tpu.memory_space<vmem>>) semaphore(%run_scoped3A_172 : memref<!tpu.dma_semaphore, #tpu.memory_space<semaphore_mem>>) {add = true}
        %dma_wait3A_183 = arith.constant 0 : i32
        %dma_wait3A_184 = arith.constant 0 : i32
        %dma_wait3A_185 = tpu.memref_slice %arg8[%run_scoped3A_117, %dma_wait3A_183, %dma_wait3A_184] : memref<2x128x128xf32, #tpu.memory_space<vmem>> -> memref<1x128x128xf32, #tpu.memory_space<vmem>>
        %dma_wait3A_186 = tpu.memref_squeeze %dma_wait3A_185 : memref<1x128x128xf32, #tpu.memory_space<vmem>> -> memref<128x128xf32, #tpu.memory_space<vmem>>
        %dma_wait3A_187 = arith.constant 0 : i32
        %dma_wait3A_188 = tpu.memref_slice %arg7[%rem3A_116, %dma_wait3A_187] : memref<40x128xi32, #tpu.memory_space<vmem>> -> memref<1x128xi32, #tpu.memory_space<vmem>>
        %dma_wait3A_189 = tpu.memref_squeeze %dma_wait3A_188 : memref<1x128xi32, #tpu.memory_space<vmem>> -> memref<128xi32, #tpu.memory_space<vmem>>
        %dma_wait3A_190 = arith.constant 0 : i32
        %dma_wait3A_191 = arith.constant 0 : i32
        %dma_wait3A_192 = tpu.memref_slice %arg9[%dma_wait3A_190, %dma_wait3A_191] : memref<10112x128xf32, #tpu.memory_space<vmem_shared>> -> memref<10112x128xf32, #tpu.memory_space<vmem_shared>>
        tpu.wait_indirect_dma semaphore(%run_scoped3A_172 : memref<!tpu.dma_semaphore, #tpu.memory_space<semaphore_mem>>) src(%dma_wait3A_186 : memref<128x128xf32, #tpu.memory_space<vmem>>) dst(%dma_wait3A_192 : memref<10112x128xf32, #tpu.memory_space<vmem_shared>>)
        tpu.yield
      }) : () -> ()
      %add3A_118 = arith.constant 2 : i32
      %add3A_119 = arith.addi %add3A_98, %add3A_118 : i32
      %eq3A_120 = arith.constant 40 : i32
      %eq3A_121 = arith.cmpi eq, %add3A_119, %eq3A_120 : i32
      %convert_element_type3A_122 = arith.extui %eq3A_121 : i1 to i32
      %cond3A_123 = arith.constant 0 : i32
      %cond3A_124 = arith.cmpi ne, %convert_element_type3A_122, %cond3A_123 : i32
      scf.if %cond3A_124 {
        %add3A_172 = arith.constant 40 : i32
        %add3A_173 = arith.addi %mul3A_2, %add3A_172 : i32
        %run_scoped3A_174 = arith.constant 1 : i32
        "tpu.region"() ({
          %run_scoped3A_175 = tpu.sem_alloc : memref<!tpu.dma_semaphore, #tpu.memory_space<semaphore_mem>>
          %dma_start3A_176 = arith.constant 0 : i32
          %dma_start3A_177 = arith.constant 0 : i32
          %dma_start3A_178 = tpu.memref_slice %arg6[%run_scoped3A_174, %dma_start3A_176, %dma_start3A_177] : memref<2x40x128xi32, #tpu.memory_space<vmem>> -> memref<1x40x128xi32, #tpu.memory_space<vmem>>
          %dma_start3A_179 = tpu.memref_squeeze %dma_start3A_178 : memref<1x40x128xi32, #tpu.memory_space<vmem>> -> memref<40x128xi32, #tpu.memory_space<vmem>>
          %dma_start3A_180 = arith.constant 0 : i32
          %dma_start3A_181 = tpu.memref_slice %arg3[%add3A_173, %dma_start3A_180] : memref<2560x128xi32, #tpu.memory_space<hbm>> -> memref<40x128xi32, #tpu.memory_space<hbm>>
          %dma_start3A_182 = arith.constant 0 : i32
          %dma_start3A_183 = arith.constant 0 : i32
          %dma_start3A_184 = tpu.memref_slice %arg6[%run_scoped3A_174, %dma_start3A_182, %dma_start3A_183] : memref<2x40x128xi32, #tpu.memory_space<vmem>> -> memref<1x40x128xi32, #tpu.memory_space<vmem>>
          %dma_start3A_185 = tpu.memref_squeeze %dma_start3A_184 : memref<1x40x128xi32, #tpu.memory_space<vmem>> -> memref<40x128xi32, #tpu.memory_space<vmem>>
          %dma_start3A_186 = arith.constant 0 : i32
          %dma_start3A_187 = tpu.memref_slice %arg3[%add3A_173, %dma_start3A_186] : memref<2560x128xi32, #tpu.memory_space<hbm>> -> memref<40x128xi32, #tpu.memory_space<hbm>>
          tpu.enqueue_dma source(%dma_start3A_187 : memref<40x128xi32, #tpu.memory_space<hbm>>) target(%dma_start3A_185 : memref<40x128xi32, #tpu.memory_space<vmem>>) target_semaphore(%run_scoped3A_175 : memref<!tpu.dma_semaphore, #tpu.memory_space<semaphore_mem>>)
          %dma_wait3A_188 = arith.constant 0 : i32
          %dma_wait3A_189 = arith.constant 0 : i32
          %dma_wait3A_190 = tpu.memref_slice %arg6[%run_scoped3A_174, %dma_wait3A_188, %dma_wait3A_189] : memref<2x40x128xi32, #tpu.memory_space<vmem>> -> memref<1x40x128xi32, #tpu.memory_space<vmem>>
          %dma_wait3A_191 = tpu.memref_squeeze %dma_wait3A_190 : memref<1x40x128xi32, #tpu.memory_space<vmem>> -> memref<40x128xi32, #tpu.memory_space<vmem>>
          %dma_wait3A_192 = arith.constant 0 : i32
          %dma_wait3A_193 = tpu.memref_slice %arg3[%add3A_173, %dma_wait3A_192] : memref<2560x128xi32, #tpu.memory_space<hbm>> -> memref<40x128xi32, #tpu.memory_space<hbm>>
          %dma_wait3A_194 = arith.constant 0 : i32
          %dma_wait3A_195 = arith.constant 0 : i32
          %dma_wait3A_196 = tpu.memref_slice %arg6[%run_scoped3A_174, %dma_wait3A_194, %dma_wait3A_195] : memref<2x40x128xi32, #tpu.memory_space<vmem>> -> memref<1x40x128xi32, #tpu.memory_space<vmem>>
          %dma_wait3A_197 = tpu.memref_squeeze %dma_wait3A_196 : memref<1x40x128xi32, #tpu.memory_space<vmem>> -> memref<40x128xi32, #tpu.memory_space<vmem>>
          %dma_wait3A_198 = arith.constant 0 : i32
          %dma_wait3A_199 = tpu.memref_slice %arg3[%add3A_173, %dma_wait3A_198] : memref<2560x128xi32, #tpu.memory_space<hbm>> -> memref<40x128xi32, #tpu.memory_space<hbm>>
          tpu.wait_dma2 semaphore(%run_scoped3A_175 : memref<!tpu.dma_semaphore, #tpu.memory_space<semaphore_mem>>) src(%dma_wait3A_199 : memref<40x128xi32, #tpu.memory_space<hbm>>) dst(%dma_wait3A_197 : memref<40x128xi32, #tpu.memory_space<vmem>>)
          tpu.yield
        }) : () -> ()
      } else {
      }
      %add3A_125 = arith.constant 2 : i32
      %add3A_126 = arith.addi %add3A_98, %add3A_125 : i32
      %lt3A = arith.constant 80 : i32
      %lt3A_127 = arith.cmpi slt, %add3A_126, %lt3A : i32
      %convert_element_type3A_128 = arith.extui %lt3A_127 : i1 to i32
      %cond3A_129 = arith.constant 0 : i32
      %cond3A_130 = arith.cmpi ne, %convert_element_type3A_128, %cond3A_129 : i32
      scf.if %cond3A_130 {
        %add3A_172 = arith.constant 2 : i32
        %add3A_173 = arith.addi %add3A_98, %add3A_172 : i32
        %div3A_174 = arith.constant 40 : i32
        %div3A_175 = arith.divsi %add3A_173, %div3A_174 : i32
        %rem3A_176 = arith.constant 40 : i32
        %rem3A_177 = arith.remsi %add3A_173, %rem3A_176 : i32
        %dma_start3A_178 = arith.constant 0 : i32
        %dma_start3A_179 = arith.constant 0 : i32
        %dma_start3A_180 = arith.constant 0 : i32
        %dma_start3A_181 = tpu.memref_slice %arg8[%dma_start3A_178, %dma_start3A_179, %dma_start3A_180] : memref<2x128x128xf32, #tpu.memory_space<vmem>> -> memref<1x128x128xf32, #tpu.memory_space<vmem>>
        %dma_start3A_182 = tpu.memref_squeeze %dma_start3A_181 : memref<1x128x128xf32, #tpu.memory_space<vmem>> -> memref<128x128xf32, #tpu.memory_space<vmem>>
        %dma_start3A_183 = arith.constant 0 : i32
        %dma_start3A_184 = tpu.memref_slice %arg6[%div3A_175, %rem3A_177, %dma_start3A_183] : memref<2x40x128xi32, #tpu.memory_space<vmem>> -> memref<1x1x128xi32, #tpu.memory_space<vmem>>
        %dma_start3A_185 = tpu.memref_squeeze %dma_start3A_184 : memref<1x1x128xi32, #tpu.memory_space<vmem>> -> memref<128xi32, #tpu.memory_space<vmem>>
        %dma_start3A_186 = arith.constant 0 : i32
        %dma_start3A_187 = arith.constant 0 : i32
        %dma_start3A_188 = tpu.memref_slice %arg2[%dma_start3A_186, %dma_start3A_187] : memref<10000x128xf32, #tpu.memory_space<hbm>> -> memref<10000x128xf32, #tpu.memory_space<hbm>>
        tpu.enqueue_indirect_dma source(%dma_start3A_188 : memref<10000x128xf32, #tpu.memory_space<hbm>>) target(%dma_start3A_182 : memref<128x128xf32, #tpu.memory_space<vmem>>) offsets(%dma_start3A_185 : memref<128xi32, #tpu.memory_space<vmem>>) semaphore(%arg10 : memref<!tpu.dma_semaphore, #tpu.memory_space<semaphore_mem>>)
      } else {
      }
      %mul3A_131 = arith.constant 2 : i32
      %mul3A_132 = arith.muli %scan3A_94, %mul3A_131 : i32
      %add3A_133 = arith.constant 1 : i32
      %add3A_134 = arith.addi %mul3A_132, %add3A_133 : i32
      %div3A_135 = arith.constant 40 : i32
      %div3A_136 = arith.divsi %add3A_134, %div3A_135 : i32
      %rem3A_137 = arith.constant 40 : i32
      %rem3A_138 = arith.remsi %add3A_134, %rem3A_137 : i32
      %dma_wait3A_139 = arith.constant 1 : i32
      %dma_wait3A_140 = arith.constant 0 : i32
      %dma_wait3A_141 = arith.constant 0 : i32
      %dma_wait3A_142 = tpu.memref_slice %arg8[%dma_wait3A_139, %dma_wait3A_140, %dma_wait3A_141] : memref<2x128x128xf32, #tpu.memory_space<vmem>> -> memref<1x128x128xf32, #tpu.memory_space<vmem>>
      %dma_wait3A_143 = tpu.memref_squeeze %dma_wait3A_142 : memref<1x128x128xf32, #tpu.memory_space<vmem>> -> memref<128x128xf32, #tpu.memory_space<vmem>>
      %dma_wait3A_144 = arith.constant 0 : i32
      %dma_wait3A_145 = tpu.memref_slice %arg6[%div3A_136, %rem3A_138, %dma_wait3A_144] : memref<2x40x128xi32, #tpu.memory_space<vmem>> -> memref<1x1x128xi32, #tpu.memory_space<vmem>>
      %dma_wait3A_146 = tpu.memref_squeeze %dma_wait3A_145 : memref<1x1x128xi32, #tpu.memory_space<vmem>> -> memref<128xi32, #tpu.memory_space<vmem>>
      %dma_wait3A_147 = arith.constant 0 : i32
      %dma_wait3A_148 = arith.constant 0 : i32
      %dma_wait3A_149 = tpu.memref_slice %arg2[%dma_wait3A_147, %dma_wait3A_148] : memref<10000x128xf32, #tpu.memory_space<hbm>> -> memref<10000x128xf32, #tpu.memory_space<hbm>>
      tpu.wait_indirect_dma semaphore(%arg11 : memref<!tpu.dma_semaphore, #tpu.memory_space<semaphore_mem>>) src(%dma_wait3A_149 : memref<10000x128xf32, #tpu.memory_space<hbm>>) dst(%dma_wait3A_143 : memref<128x128xf32, #tpu.memory_space<vmem>>)
      %eq3A_150 = arith.constant 40 : i32
      %eq3A_151 = arith.cmpi eq, %add3A_134, %eq3A_150 : i32
      %convert_element_type3A_152 = arith.extui %eq3A_151 : i1 to i32
      %cond3A_153 = arith.constant 0 : i32
      %cond3A_154 = arith.cmpi ne, %convert_element_type3A_152, %cond3A_153 : i32
      scf.if %cond3A_154 {
        %add3A_172 = arith.constant 40 : i32
        %add3A_173 = arith.addi %mul3A_2, %add3A_172 : i32
        "tpu.region"() ({
          %run_scoped3A_174 = tpu.sem_alloc : memref<!tpu.dma_semaphore, #tpu.memory_space<semaphore_mem>>
          %dma_start3A_175 = arith.constant 0 : i32
          %dma_start3A_176 = tpu.memref_slice %arg4[%add3A_173, %dma_start3A_175] : memref<2560x128xi32, #tpu.memory_space<hbm>> -> memref<40x128xi32, #tpu.memory_space<hbm>>
          %dma_start3A_177 = arith.constant 0 : i32
          %dma_start3A_178 = tpu.memref_slice %arg4[%add3A_173, %dma_start3A_177] : memref<2560x128xi32, #tpu.memory_space<hbm>> -> memref<40x128xi32, #tpu.memory_space<hbm>>
          tpu.enqueue_dma source(%dma_start3A_178 : memref<40x128xi32, #tpu.memory_space<hbm>>) target(%arg7 : memref<40x128xi32, #tpu.memory_space<vmem>>) target_semaphore(%run_scoped3A_174 : memref<!tpu.dma_semaphore, #tpu.memory_space<semaphore_mem>>)
          %dma_wait3A_179 = arith.constant 0 : i32
          %dma_wait3A_180 = tpu.memref_slice %arg4[%add3A_173, %dma_wait3A_179] : memref<2560x128xi32, #tpu.memory_space<hbm>> -> memref<40x128xi32, #tpu.memory_space<hbm>>
          %dma_wait3A_181 = arith.constant 0 : i32
          %dma_wait3A_182 = tpu.memref_slice %arg4[%add3A_173, %dma_wait3A_181] : memref<2560x128xi32, #tpu.memory_space<hbm>> -> memref<40x128xi32, #tpu.memory_space<hbm>>
          tpu.wait_dma2 semaphore(%run_scoped3A_174 : memref<!tpu.dma_semaphore, #tpu.memory_space<semaphore_mem>>) src(%dma_wait3A_182 : memref<40x128xi32, #tpu.memory_space<hbm>>) dst(%arg7 : memref<40x128xi32, #tpu.memory_space<vmem>>)
          tpu.yield
        }) : () -> ()
      } else {
      }
      %rem3A_155 = arith.constant 40 : i32
      %rem3A_156 = arith.remsi %add3A_134, %rem3A_155 : i32
      %run_scoped3A_157 = arith.constant 1 : i32
      "tpu.region"() ({
        %run_scoped3A_172 = tpu.sem_alloc : memref<!tpu.dma_semaphore, #tpu.memory_space<semaphore_mem>>
        %dma_start3A_173 = arith.constant 0 : i32
        %dma_start3A_174 = arith.constant 0 : i32
        %dma_start3A_175 = tpu.memref_slice %arg8[%run_scoped3A_157, %dma_start3A_173, %dma_start3A_174] : memref<2x128x128xf32, #tpu.memory_space<vmem>> -> memref<1x128x128xf32, #tpu.memory_space<vmem>>
        %dma_start3A_176 = tpu.memref_squeeze %dma_start3A_175 : memref<1x128x128xf32, #tpu.memory_space<vmem>> -> memref<128x128xf32, #tpu.memory_space<vmem>>
        %dma_start3A_177 = arith.constant 0 : i32
        %dma_start3A_178 = tpu.memref_slice %arg7[%rem3A_156, %dma_start3A_177] : memref<40x128xi32, #tpu.memory_space<vmem>> -> memref<1x128xi32, #tpu.memory_space<vmem>>
        %dma_start3A_179 = tpu.memref_squeeze %dma_start3A_178 : memref<1x128xi32, #tpu.memory_space<vmem>> -> memref<128xi32, #tpu.memory_space<vmem>>
        %dma_start3A_180 = arith.constant 0 : i32
        %dma_start3A_181 = arith.constant 0 : i32
        %dma_start3A_182 = tpu.memref_slice %arg9[%dma_start3A_180, %dma_start3A_181] : memref<10112x128xf32, #tpu.memory_space<vmem_shared>> -> memref<10112x128xf32, #tpu.memory_space<vmem_shared>>
        tpu.enqueue_indirect_dma source(%dma_start3A_176 : memref<128x128xf32, #tpu.memory_space<vmem>>) target(%dma_start3A_182 : memref<10112x128xf32, #tpu.memory_space<vmem_shared>>) offsets(%dma_start3A_179 : memref<128xi32, #tpu.memory_space<vmem>>) semaphore(%run_scoped3A_172 : memref<!tpu.dma_semaphore, #tpu.memory_space<semaphore_mem>>) {add = true}
        %dma_wait3A_183 = arith.constant 0 : i32
        %dma_wait3A_184 = arith.constant 0 : i32
        %dma_wait3A_185 = tpu.memref_slice %arg8[%run_scoped3A_157, %dma_wait3A_183, %dma_wait3A_184] : memref<2x128x128xf32, #tpu.memory_space<vmem>> -> memref<1x128x128xf32, #tpu.memory_space<vmem>>
        %dma_wait3A_186 = tpu.memref_squeeze %dma_wait3A_185 : memref<1x128x128xf32, #tpu.memory_space<vmem>> -> memref<128x128xf32, #tpu.memory_space<vmem>>
        %dma_wait3A_187 = arith.constant 0 : i32
        %dma_wait3A_188 = tpu.memref_slice %arg7[%rem3A_156, %dma_wait3A_187] : memref<40x128xi32, #tpu.memory_space<vmem>> -> memref<1x128xi32, #tpu.memory_space<vmem>>
        %dma_wait3A_189 = tpu.memref_squeeze %dma_wait3A_188 : memref<1x128xi32, #tpu.memory_space<vmem>> -> memref<128xi32, #tpu.memory_space<vmem>>
        %dma_wait3A_190 = arith.constant 0 : i32
        %dma_wait3A_191 = arith.constant 0 : i32
        %dma_wait3A_192 = tpu.memref_slice %arg9[%dma_wait3A_190, %dma_wait3A_191] : memref<10112x128xf32, #tpu.memory_space<vmem_shared>> -> memref<10112x128xf32, #tpu.memory_space<vmem_shared>>
        tpu.wait_indirect_dma semaphore(%run_scoped3A_172 : memref<!tpu.dma_semaphore, #tpu.memory_space<semaphore_mem>>) src(%dma_wait3A_186 : memref<128x128xf32, #tpu.memory_space<vmem>>) dst(%dma_wait3A_192 : memref<10112x128xf32, #tpu.memory_space<vmem_shared>>)
        tpu.yield
      }) : () -> ()
      %add3A_158 = arith.constant 2 : i32
      %add3A_159 = arith.addi %add3A_134, %add3A_158 : i32
      %eq3A_160 = arith.constant 40 : i32
      %eq3A_161 = arith.cmpi eq, %add3A_159, %eq3A_160 : i32
      %convert_element_type3A_162 = arith.extui %eq3A_161 : i1 to i32
      %cond3A_163 = arith.constant 0 : i32
      %cond3A_164 = arith.cmpi ne, %convert_element_type3A_162, %cond3A_163 : i32
      scf.if %cond3A_164 {
        %add3A_172 = arith.constant 40 : i32
        %add3A_173 = arith.addi %mul3A_2, %add3A_172 : i32
        %run_scoped3A_174 = arith.constant 1 : i32
        "tpu.region"() ({
          %run_scoped3A_175 = tpu.sem_alloc : memref<!tpu.dma_semaphore, #tpu.memory_space<semaphore_mem>>
          %dma_start3A_176 = arith.constant 0 : i32
          %dma_start3A_177 = arith.constant 0 : i32
          %dma_start3A_178 = tpu.memref_slice %arg6[%run_scoped3A_174, %dma_start3A_176, %dma_start3A_177] : memref<2x40x128xi32, #tpu.memory_space<vmem>> -> memref<1x40x128xi32, #tpu.memory_space<vmem>>
          %dma_start3A_179 = tpu.memref_squeeze %dma_start3A_178 : memref<1x40x128xi32, #tpu.memory_space<vmem>> -> memref<40x128xi32, #tpu.memory_space<vmem>>
          %dma_start3A_180 = arith.constant 0 : i32
          %dma_start3A_181 = tpu.memref_slice %arg3[%add3A_173, %dma_start3A_180] : memref<2560x128xi32, #tpu.memory_space<hbm>> -> memref<40x128xi32, #tpu.memory_space<hbm>>
          %dma_start3A_182 = arith.constant 0 : i32
          %dma_start3A_183 = arith.constant 0 : i32
          %dma_start3A_184 = tpu.memref_slice %arg6[%run_scoped3A_174, %dma_start3A_182, %dma_start3A_183] : memref<2x40x128xi32, #tpu.memory_space<vmem>> -> memref<1x40x128xi32, #tpu.memory_space<vmem>>
          %dma_start3A_185 = tpu.memref_squeeze %dma_start3A_184 : memref<1x40x128xi32, #tpu.memory_space<vmem>> -> memref<40x128xi32, #tpu.memory_space<vmem>>
          %dma_start3A_186 = arith.constant 0 : i32
          %dma_start3A_187 = tpu.memref_slice %arg3[%add3A_173, %dma_start3A_186] : memref<2560x128xi32, #tpu.memory_space<hbm>> -> memref<40x128xi32, #tpu.memory_space<hbm>>
          tpu.enqueue_dma source(%dma_start3A_187 : memref<40x128xi32, #tpu.memory_space<hbm>>) target(%dma_start3A_185 : memref<40x128xi32, #tpu.memory_space<vmem>>) target_semaphore(%run_scoped3A_175 : memref<!tpu.dma_semaphore, #tpu.memory_space<semaphore_mem>>)
          %dma_wait3A_188 = arith.constant 0 : i32
          %dma_wait3A_189 = arith.constant 0 : i32
          %dma_wait3A_190 = tpu.memref_slice %arg6[%run_scoped3A_174, %dma_wait3A_188, %dma_wait3A_189] : memref<2x40x128xi32, #tpu.memory_space<vmem>> -> memref<1x40x128xi32, #tpu.memory_space<vmem>>
          %dma_wait3A_191 = tpu.memref_squeeze %dma_wait3A_190 : memref<1x40x128xi32, #tpu.memory_space<vmem>> -> memref<40x128xi32, #tpu.memory_space<vmem>>
          %dma_wait3A_192 = arith.constant 0 : i32
          %dma_wait3A_193 = tpu.memref_slice %arg3[%add3A_173, %dma_wait3A_192] : memref<2560x128xi32, #tpu.memory_space<hbm>> -> memref<40x128xi32, #tpu.memory_space<hbm>>
          %dma_wait3A_194 = arith.constant 0 : i32
          %dma_wait3A_195 = arith.constant 0 : i32
          %dma_wait3A_196 = tpu.memref_slice %arg6[%run_scoped3A_174, %dma_wait3A_194, %dma_wait3A_195] : memref<2x40x128xi32, #tpu.memory_space<vmem>> -> memref<1x40x128xi32, #tpu.memory_space<vmem>>
          %dma_wait3A_197 = tpu.memref_squeeze %dma_wait3A_196 : memref<1x40x128xi32, #tpu.memory_space<vmem>> -> memref<40x128xi32, #tpu.memory_space<vmem>>
          %dma_wait3A_198 = arith.constant 0 : i32
          %dma_wait3A_199 = tpu.memref_slice %arg3[%add3A_173, %dma_wait3A_198] : memref<2560x128xi32, #tpu.memory_space<hbm>> -> memref<40x128xi32, #tpu.memory_space<hbm>>
          tpu.wait_dma2 semaphore(%run_scoped3A_175 : memref<!tpu.dma_semaphore, #tpu.memory_space<semaphore_mem>>) src(%dma_wait3A_199 : memref<40x128xi32, #tpu.memory_space<hbm>>) dst(%dma_wait3A_197 : memref<40x128xi32, #tpu.memory_space<vmem>>)
          tpu.yield
        }) : () -> ()
      } else {
      }
      %add3A_165 = arith.constant 2 : i32
      %add3A_166 = arith.addi %add3A_134, %add3A_165 : i32
      %lt3A_167 = arith.constant 80 : i32
      %lt3A_168 = arith.cmpi slt, %add3A_166, %lt3A_167 : i32
      %convert_element_type3A_169 = arith.extui %lt3A_168 : i1 to i32
      %cond3A_170 = arith.constant 0 : i32
      %cond3A_171 = arith.cmpi ne, %convert_element_type3A_169, %cond3A_170 : i32
      scf.if %cond3A_171 {
        %add3A_172 = arith.constant 2 : i32
        %add3A_173 = arith.addi %add3A_134, %add3A_172 : i32
        %div3A_174 = arith.constant 40 : i32
        %div3A_175 = arith.divsi %add3A_173, %div3A_174 : i32
        %rem3A_176 = arith.constant 40 : i32
        %rem3A_177 = arith.remsi %add3A_173, %rem3A_176 : i32
        %dma_start3A_178 = arith.constant 1 : i32
        %dma_start3A_179 = arith.constant 0 : i32
        %dma_start3A_180 = arith.constant 0 : i32
        %dma_start3A_181 = tpu.memref_slice %arg8[%dma_start3A_178, %dma_start3A_179, %dma_start3A_180] : memref<2x128x128xf32, #tpu.memory_space<vmem>> -> memref<1x128x128xf32, #tpu.memory_space<vmem>>
        %dma_start3A_182 = tpu.memref_squeeze %dma_start3A_181 : memref<1x128x128xf32, #tpu.memory_space<vmem>> -> memref<128x128xf32, #tpu.memory_space<vmem>>
        %dma_start3A_183 = arith.constant 0 : i32
        %dma_start3A_184 = tpu.memref_slice %arg6[%div3A_175, %rem3A_177, %dma_start3A_183] : memref<2x40x128xi32, #tpu.memory_space<vmem>> -> memref<1x1x128xi32, #tpu.memory_space<vmem>>
        %dma_start3A_185 = tpu.memref_squeeze %dma_start3A_184 : memref<1x1x128xi32, #tpu.memory_space<vmem>> -> memref<128xi32, #tpu.memory_space<vmem>>
        %dma_start3A_186 = arith.constant 0 : i32
        %dma_start3A_187 = arith.constant 0 : i32
        %dma_start3A_188 = tpu.memref_slice %arg2[%dma_start3A_186, %dma_start3A_187] : memref<10000x128xf32, #tpu.memory_space<hbm>> -> memref<10000x128xf32, #tpu.memory_space<hbm>>
        tpu.enqueue_indirect_dma source(%dma_start3A_188 : memref<10000x128xf32, #tpu.memory_space<hbm>>) target(%dma_start3A_182 : memref<128x128xf32, #tpu.memory_space<vmem>>) offsets(%dma_start3A_185 : memref<128xi32, #tpu.memory_space<vmem>>) semaphore(%arg11 : memref<!tpu.dma_semaphore, #tpu.memory_space<semaphore_mem>>)
      } else {
      }
    }
    %scan3A_62 = arith.constant 40 : i32
    %barrier3A_63 = arith.constant 0 : index
    tpu.barrier barrier_id(%barrier3A_63)
    %add3A_64 = arith.constant 0 : i32
    %add3A_65 = arith.addi %mul3A_10, %add3A_64 : i32
    %run_scoped3A_66 = arith.constant 0 : i32
    "tpu.region"() ({
      %run_scoped3A_94 = tpu.sem_alloc : memref<!tpu.dma_semaphore, #tpu.memory_space<semaphore_mem>>
      %dma_start3A_95 = arith.constant 0 : i32
      %dma_start3A_96 = arith.constant 0 : i32
      %dma_start3A_97 = tpu.memref_slice %arg8[%run_scoped3A_66, %dma_start3A_95, %dma_start3A_96] : memref<2x128x128xf32, #tpu.memory_space<vmem>> -> memref<1x128x128xf32, #tpu.memory_space<vmem>>
      %dma_start3A_98 = tpu.memref_squeeze %dma_start3A_97 : memref<1x128x128xf32, #tpu.memory_space<vmem>> -> memref<128x128xf32, #tpu.memory_space<vmem>>
      %dma_start3A_99 = arith.constant 0 : i32
      %dma_start3A_100 = tpu.memref_slice %arg9[%add3A_65, %dma_start3A_99] : memref<10112x128xf32, #tpu.memory_space<vmem_shared>> -> memref<128x128xf32, #tpu.memory_space<vmem_shared>>
      %dma_start3A_101 = arith.constant 0 : i32
      %dma_start3A_102 = arith.constant 0 : i32
      %dma_start3A_103 = tpu.memref_slice %arg8[%run_scoped3A_66, %dma_start3A_101, %dma_start3A_102] : memref<2x128x128xf32, #tpu.memory_space<vmem>> -> memref<1x128x128xf32, #tpu.memory_space<vmem>>
      %dma_start3A_104 = tpu.memref_squeeze %dma_start3A_103 : memref<1x128x128xf32, #tpu.memory_space<vmem>> -> memref<128x128xf32, #tpu.memory_space<vmem>>
      %dma_start3A_105 = arith.constant 0 : i32
      %dma_start3A_106 = tpu.memref_slice %arg9[%add3A_65, %dma_start3A_105] : memref<10112x128xf32, #tpu.memory_space<vmem_shared>> -> memref<128x128xf32, #tpu.memory_space<vmem_shared>>
      tpu.enqueue_dma source(%dma_start3A_106 : memref<128x128xf32, #tpu.memory_space<vmem_shared>>) target(%dma_start3A_104 : memref<128x128xf32, #tpu.memory_space<vmem>>) target_semaphore(%run_scoped3A_94 : memref<!tpu.dma_semaphore, #tpu.memory_space<semaphore_mem>>)
      %dma_wait3A = arith.constant 0 : i32
      %dma_wait3A_107 = arith.constant 0 : i32
      %dma_wait3A_108 = tpu.memref_slice %arg8[%run_scoped3A_66, %dma_wait3A, %dma_wait3A_107] : memref<2x128x128xf32, #tpu.memory_space<vmem>> -> memref<1x128x128xf32, #tpu.memory_space<vmem>>
      %dma_wait3A_109 = tpu.memref_squeeze %dma_wait3A_108 : memref<1x128x128xf32, #tpu.memory_space<vmem>> -> memref<128x128xf32, #tpu.memory_space<vmem>>
      %dma_wait3A_110 = arith.constant 0 : i32
      %dma_wait3A_111 = tpu.memref_slice %arg9[%add3A_65, %dma_wait3A_110] : memref<10112x128xf32, #tpu.memory_space<vmem_shared>> -> memref<128x128xf32, #tpu.memory_space<vmem_shared>>
      %dma_wait3A_112 = arith.constant 0 : i32
      %dma_wait3A_113 = arith.constant 0 : i32
      %dma_wait3A_114 = tpu.memref_slice %arg8[%run_scoped3A_66, %dma_wait3A_112, %dma_wait3A_113] : memref<2x128x128xf32, #tpu.memory_space<vmem>> -> memref<1x128x128xf32, #tpu.memory_space<vmem>>
      %dma_wait3A_115 = tpu.memref_squeeze %dma_wait3A_114 : memref<1x128x128xf32, #tpu.memory_space<vmem>> -> memref<128x128xf32, #tpu.memory_space<vmem>>
      %dma_wait3A_116 = arith.constant 0 : i32
      %dma_wait3A_117 = tpu.memref_slice %arg9[%add3A_65, %dma_wait3A_116] : memref<10112x128xf32, #tpu.memory_space<vmem_shared>> -> memref<128x128xf32, #tpu.memory_space<vmem_shared>>
      tpu.wait_dma2 semaphore(%run_scoped3A_94 : memref<!tpu.dma_semaphore, #tpu.memory_space<semaphore_mem>>) src(%dma_wait3A_117 : memref<128x128xf32, #tpu.memory_space<vmem_shared>>) dst(%dma_wait3A_115 : memref<128x128xf32, #tpu.memory_space<vmem>>)
      tpu.yield
    }) : () -> ()
    %add3A_67 = arith.constant 0 : i32
    %add3A_68 = arith.addi %mul3A_10, %add3A_67 : i32
    %run_scoped3A_69 = arith.constant 0 : i32
    "tpu.region"() ({
      %run_scoped3A_94 = tpu.sem_alloc : memref<!tpu.dma_semaphore, #tpu.memory_space<semaphore_mem>>
      %dma_start3A_95 = arith.constant 0 : i32
      %dma_start3A_96 = arith.constant 0 : i32
      %dma_start3A_97 = tpu.memref_slice %arg8[%run_scoped3A_69, %dma_start3A_95, %dma_start3A_96] : memref<2x128x128xf32, #tpu.memory_space<vmem>> -> memref<1x128x128xf32, #tpu.memory_space<vmem>>
      %dma_start3A_98 = tpu.memref_squeeze %dma_start3A_97 : memref<1x128x128xf32, #tpu.memory_space<vmem>> -> memref<128x128xf32, #tpu.memory_space<vmem>>
      %dma_start3A_99 = arith.constant 0 : i32
      %dma_start3A_100 = tpu.memref_slice %arg5[%arg0, %add3A_68, %dma_start3A_99] : memref<2x10112x128xf32, #tpu.memory_space<hbm>> -> memref<1x128x128xf32, #tpu.memory_space<hbm>>
      %dma_start3A_101 = tpu.memref_squeeze %dma_start3A_100 : memref<1x128x128xf32, #tpu.memory_space<hbm>> -> memref<128x128xf32, #tpu.memory_space<hbm>>
      %dma_start3A_102 = arith.constant 0 : i32
      %dma_start3A_103 = tpu.memref_slice %arg5[%arg0, %add3A_68, %dma_start3A_102] : memref<2x10112x128xf32, #tpu.memory_space<hbm>> -> memref<1x128x128xf32, #tpu.memory_space<hbm>>
      %dma_start3A_104 = tpu.memref_squeeze %dma_start3A_103 : memref<1x128x128xf32, #tpu.memory_space<hbm>> -> memref<128x128xf32, #tpu.memory_space<hbm>>
      %dma_start3A_105 = arith.constant 0 : i32
      %dma_start3A_106 = arith.constant 0 : i32
      %dma_start3A_107 = tpu.memref_slice %arg8[%run_scoped3A_69, %dma_start3A_105, %dma_start3A_106] : memref<2x128x128xf32, #tpu.memory_space<vmem>> -> memref<1x128x128xf32, #tpu.memory_space<vmem>>
      %dma_start3A_108 = tpu.memref_squeeze %dma_start3A_107 : memref<1x128x128xf32, #tpu.memory_space<vmem>> -> memref<128x128xf32, #tpu.memory_space<vmem>>
      tpu.enqueue_dma source(%dma_start3A_108 : memref<128x128xf32, #tpu.memory_space<vmem>>) target(%dma_start3A_104 : memref<128x128xf32, #tpu.memory_space<hbm>>) target_semaphore(%run_scoped3A_94 : memref<!tpu.dma_semaphore, #tpu.memory_space<semaphore_mem>>)
      %dma_wait3A = arith.constant 0 : i32
      %dma_wait3A_109 = arith.constant 0 : i32
      %dma_wait3A_110 = tpu.memref_slice %arg8[%run_scoped3A_69, %dma_wait3A, %dma_wait3A_109] : memref<2x128x128xf32, #tpu.memory_space<vmem>> -> memref<1x128x128xf32, #tpu.memory_space<vmem>>
      %dma_wait3A_111 = tpu.memref_squeeze %dma_wait3A_110 : memref<1x128x128xf32, #tpu.memory_space<vmem>> -> memref<128x128xf32, #tpu.memory_space<vmem>>
      %dma_wait3A_112 = arith.constant 0 : i32
      %dma_wait3A_113 = tpu.memref_slice %arg5[%arg0, %add3A_68, %dma_wait3A_112] : memref<2x10112x128xf32, #tpu.memory_space<hbm>> -> memref<1x128x128xf32, #tpu.memory_space<hbm>>
      %dma_wait3A_114 = tpu.memref_squeeze %dma_wait3A_113 : memref<1x128x128xf32, #tpu.memory_space<hbm>> -> memref<128x128xf32, #tpu.memory_space<hbm>>
      %dma_wait3A_115 = arith.constant 0 : i32
      %dma_wait3A_116 = tpu.memref_slice %arg5[%arg0, %add3A_68, %dma_wait3A_115] : memref<2x10112x128xf32, #tpu.memory_space<hbm>> -> memref<1x128x128xf32, #tpu.memory_space<hbm>>
      %dma_wait3A_117 = tpu.memref_squeeze %dma_wait3A_116 : memref<1x128x128xf32, #tpu.memory_space<hbm>> -> memref<128x128xf32, #tpu.memory_space<hbm>>
      %dma_wait3A_118 = arith.constant 0 : i32
      %dma_wait3A_119 = arith.constant 0 : i32
      %dma_wait3A_120 = tpu.memref_slice %arg8[%run_scoped3A_69, %dma_wait3A_118, %dma_wait3A_119] : memref<2x128x128xf32, #tpu.memory_space<vmem>> -> memref<1x128x128xf32, #tpu.memory_space<vmem>>
      %dma_wait3A_121 = tpu.memref_squeeze %dma_wait3A_120 : memref<1x128x128xf32, #tpu.memory_space<vmem>> -> memref<128x128xf32, #tpu.memory_space<vmem>>
      tpu.wait_dma2 semaphore(%run_scoped3A_94 : memref<!tpu.dma_semaphore, #tpu.memory_space<semaphore_mem>>) src(%dma_wait3A_121 : memref<128x128xf32, #tpu.memory_space<vmem>>) dst(%dma_wait3A_117 : memref<128x128xf32, #tpu.memory_space<hbm>>)
      tpu.yield
    }) : () -> ()
    %add3A_70 = arith.constant 128 : i32
    %add3A_71 = arith.addi %mul3A_10, %add3A_70 : i32
    %run_scoped3A_72 = arith.constant 0 : i32
    "tpu.region"() ({
      %run_scoped3A_94 = tpu.sem_alloc : memref<!tpu.dma_semaphore, #tpu.memory_space<semaphore_mem>>
      %dma_start3A_95 = arith.constant 0 : i32
      %dma_start3A_96 = arith.constant 0 : i32
      %dma_start3A_97 = tpu.memref_slice %arg8[%run_scoped3A_72, %dma_start3A_95, %dma_start3A_96] : memref<2x128x128xf32, #tpu.memory_space<vmem>> -> memref<1x128x128xf32, #tpu.memory_space<vmem>>
      %dma_start3A_98 = tpu.memref_squeeze %dma_start3A_97 : memref<1x128x128xf32, #tpu.memory_space<vmem>> -> memref<128x128xf32, #tpu.memory_space<vmem>>
      %dma_start3A_99 = arith.constant 0 : i32
      %dma_start3A_100 = tpu.memref_slice %arg9[%add3A_71, %dma_start3A_99] : memref<10112x128xf32, #tpu.memory_space<vmem_shared>> -> memref<128x128xf32, #tpu.memory_space<vmem_shared>>
      %dma_start3A_101 = arith.constant 0 : i32
      %dma_start3A_102 = arith.constant 0 : i32
      %dma_start3A_103 = tpu.memref_slice %arg8[%run_scoped3A_72, %dma_start3A_101, %dma_start3A_102] : memref<2x128x128xf32, #tpu.memory_space<vmem>> -> memref<1x128x128xf32, #tpu.memory_space<vmem>>
      %dma_start3A_104 = tpu.memref_squeeze %dma_start3A_103 : memref<1x128x128xf32, #tpu.memory_space<vmem>> -> memref<128x128xf32, #tpu.memory_space<vmem>>
      %dma_start3A_105 = arith.constant 0 : i32
      %dma_start3A_106 = tpu.memref_slice %arg9[%add3A_71, %dma_start3A_105] : memref<10112x128xf32, #tpu.memory_space<vmem_shared>> -> memref<128x128xf32, #tpu.memory_space<vmem_shared>>
      tpu.enqueue_dma source(%dma_start3A_106 : memref<128x128xf32, #tpu.memory_space<vmem_shared>>) target(%dma_start3A_104 : memref<128x128xf32, #tpu.memory_space<vmem>>) target_semaphore(%run_scoped3A_94 : memref<!tpu.dma_semaphore, #tpu.memory_space<semaphore_mem>>)
      %dma_wait3A = arith.constant 0 : i32
      %dma_wait3A_107 = arith.constant 0 : i32
      %dma_wait3A_108 = tpu.memref_slice %arg8[%run_scoped3A_72, %dma_wait3A, %dma_wait3A_107] : memref<2x128x128xf32, #tpu.memory_space<vmem>> -> memref<1x128x128xf32, #tpu.memory_space<vmem>>
      %dma_wait3A_109 = tpu.memref_squeeze %dma_wait3A_108 : memref<1x128x128xf32, #tpu.memory_space<vmem>> -> memref<128x128xf32, #tpu.memory_space<vmem>>
      %dma_wait3A_110 = arith.constant 0 : i32
      %dma_wait3A_111 = tpu.memref_slice %arg9[%add3A_71, %dma_wait3A_110] : memref<10112x128xf32, #tpu.memory_space<vmem_shared>> -> memref<128x128xf32, #tpu.memory_space<vmem_shared>>
      %dma_wait3A_112 = arith.constant 0 : i32
      %dma_wait3A_113 = arith.constant 0 : i32
      %dma_wait3A_114 = tpu.memref_slice %arg8[%run_scoped3A_72, %dma_wait3A_112, %dma_wait3A_113] : memref<2x128x128xf32, #tpu.memory_space<vmem>> -> memref<1x128x128xf32, #tpu.memory_space<vmem>>
      %dma_wait3A_115 = tpu.memref_squeeze %dma_wait3A_114 : memref<1x128x128xf32, #tpu.memory_space<vmem>> -> memref<128x128xf32, #tpu.memory_space<vmem>>
      %dma_wait3A_116 = arith.constant 0 : i32
      %dma_wait3A_117 = tpu.memref_slice %arg9[%add3A_71, %dma_wait3A_116] : memref<10112x128xf32, #tpu.memory_space<vmem_shared>> -> memref<128x128xf32, #tpu.memory_space<vmem_shared>>
      tpu.wait_dma2 semaphore(%run_scoped3A_94 : memref<!tpu.dma_semaphore, #tpu.memory_space<semaphore_mem>>) src(%dma_wait3A_117 : memref<128x128xf32, #tpu.memory_space<vmem_shared>>) dst(%dma_wait3A_115 : memref<128x128xf32, #tpu.memory_space<vmem>>)
      tpu.yield
    }) : () -> ()
    %add3A_73 = arith.constant 128 : i32
    %add3A_74 = arith.addi %mul3A_10, %add3A_73 : i32
    %run_scoped3A_75 = arith.constant 0 : i32
    "tpu.region"() ({
      %run_scoped3A_94 = tpu.sem_alloc : memref<!tpu.dma_semaphore, #tpu.memory_space<semaphore_mem>>
      %dma_start3A_95 = arith.constant 0 : i32
      %dma_start3A_96 = arith.constant 0 : i32
      %dma_start3A_97 = tpu.memref_slice %arg8[%run_scoped3A_75, %dma_start3A_95, %dma_start3A_96] : memref<2x128x128xf32, #tpu.memory_space<vmem>> -> memref<1x128x128xf32, #tpu.memory_space<vmem>>
      %dma_start3A_98 = tpu.memref_squeeze %dma_start3A_97 : memref<1x128x128xf32, #tpu.memory_space<vmem>> -> memref<128x128xf32, #tpu.memory_space<vmem>>
      %dma_start3A_99 = arith.constant 0 : i32
      %dma_start3A_100 = tpu.memref_slice %arg5[%arg0, %add3A_74, %dma_start3A_99] : memref<2x10112x128xf32, #tpu.memory_space<hbm>> -> memref<1x128x128xf32, #tpu.memory_space<hbm>>
      %dma_start3A_101 = tpu.memref_squeeze %dma_start3A_100 : memref<1x128x128xf32, #tpu.memory_space<hbm>> -> memref<128x128xf32, #tpu.memory_space<hbm>>
      %dma_start3A_102 = arith.constant 0 : i32
      %dma_start3A_103 = tpu.memref_slice %arg5[%arg0, %add3A_74, %dma_start3A_102] : memref<2x10112x128xf32, #tpu.memory_space<hbm>> -> memref<1x128x128xf32, #tpu.memory_space<hbm>>
      %dma_start3A_104 = tpu.memref_squeeze %dma_start3A_103 : memref<1x128x128xf32, #tpu.memory_space<hbm>> -> memref<128x128xf32, #tpu.memory_space<hbm>>
      %dma_start3A_105 = arith.constant 0 : i32
      %dma_start3A_106 = arith.constant 0 : i32
      %dma_start3A_107 = tpu.memref_slice %arg8[%run_scoped3A_75, %dma_start3A_105, %dma_start3A_106] : memref<2x128x128xf32, #tpu.memory_space<vmem>> -> memref<1x128x128xf32, #tpu.memory_space<vmem>>
      %dma_start3A_108 = tpu.memref_squeeze %dma_start3A_107 : memref<1x128x128xf32, #tpu.memory_space<vmem>> -> memref<128x128xf32, #tpu.memory_space<vmem>>
      tpu.enqueue_dma source(%dma_start3A_108 : memref<128x128xf32, #tpu.memory_space<vmem>>) target(%dma_start3A_104 : memref<128x128xf32, #tpu.memory_space<hbm>>) target_semaphore(%run_scoped3A_94 : memref<!tpu.dma_semaphore, #tpu.memory_space<semaphore_mem>>)
      %dma_wait3A = arith.constant 0 : i32
      %dma_wait3A_109 = arith.constant 0 : i32
      %dma_wait3A_110 = tpu.memref_slice %arg8[%run_scoped3A_75, %dma_wait3A, %dma_wait3A_109] : memref<2x128x128xf32, #tpu.memory_space<vmem>> -> memref<1x128x128xf32, #tpu.memory_space<vmem>>
      %dma_wait3A_111 = tpu.memref_squeeze %dma_wait3A_110 : memref<1x128x128xf32, #tpu.memory_space<vmem>> -> memref<128x128xf32, #tpu.memory_space<vmem>>
      %dma_wait3A_112 = arith.constant 0 : i32
      %dma_wait3A_113 = tpu.memref_slice %arg5[%arg0, %add3A_74, %dma_wait3A_112] : memref<2x10112x128xf32, #tpu.memory_space<hbm>> -> memref<1x128x128xf32, #tpu.memory_space<hbm>>
      %dma_wait3A_114 = tpu.memref_squeeze %dma_wait3A_113 : memref<1x128x128xf32, #tpu.memory_space<hbm>> -> memref<128x128xf32, #tpu.memory_space<hbm>>
      %dma_wait3A_115 = arith.constant 0 : i32
      %dma_wait3A_116 = tpu.memref_slice %arg5[%arg0, %add3A_74, %dma_wait3A_115] : memref<2x10112x128xf32, #tpu.memory_space<hbm>> -> memref<1x128x128xf32, #tpu.memory_space<hbm>>
      %dma_wait3A_117 = tpu.memref_squeeze %dma_wait3A_116 : memref<1x128x128xf32, #tpu.memory_space<hbm>> -> memref<128x128xf32, #tpu.memory_space<hbm>>
      %dma_wait3A_118 = arith.constant 0 : i32
      %dma_wait3A_119 = arith.constant 0 : i32
      %dma_wait3A_120 = tpu.memref_slice %arg8[%run_scoped3A_75, %dma_wait3A_118, %dma_wait3A_119] : memref<2x128x128xf32, #tpu.memory_space<vmem>> -> memref<1x128x128xf32, #tpu.memory_space<vmem>>
      %dma_wait3A_121 = tpu.memref_squeeze %dma_wait3A_120 : memref<1x128x128xf32, #tpu.memory_space<vmem>> -> memref<128x128xf32, #tpu.memory_space<vmem>>
      tpu.wait_dma2 semaphore(%run_scoped3A_94 : memref<!tpu.dma_semaphore, #tpu.memory_space<semaphore_mem>>) src(%dma_wait3A_121 : memref<128x128xf32, #tpu.memory_space<vmem>>) dst(%dma_wait3A_117 : memref<128x128xf32, #tpu.memory_space<hbm>>)
      tpu.yield
    }) : () -> ()
    %add3A_76 = arith.constant 256 : i32
    %add3A_77 = arith.addi %mul3A_10, %add3A_76 : i32
    %run_scoped3A_78 = arith.constant 0 : i32
    "tpu.region"() ({
      %run_scoped3A_94 = tpu.sem_alloc : memref<!tpu.dma_semaphore, #tpu.memory_space<semaphore_mem>>
      %dma_start3A_95 = arith.constant 0 : i32
      %dma_start3A_96 = arith.constant 0 : i32
      %dma_start3A_97 = tpu.memref_slice %arg8[%run_scoped3A_78, %dma_start3A_95, %dma_start3A_96] : memref<2x128x128xf32, #tpu.memory_space<vmem>> -> memref<1x128x128xf32, #tpu.memory_space<vmem>>
      %dma_start3A_98 = tpu.memref_squeeze %dma_start3A_97 : memref<1x128x128xf32, #tpu.memory_space<vmem>> -> memref<128x128xf32, #tpu.memory_space<vmem>>
      %dma_start3A_99 = arith.constant 0 : i32
      %dma_start3A_100 = tpu.memref_slice %arg9[%add3A_77, %dma_start3A_99] : memref<10112x128xf32, #tpu.memory_space<vmem_shared>> -> memref<128x128xf32, #tpu.memory_space<vmem_shared>>
      %dma_start3A_101 = arith.constant 0 : i32
      %dma_start3A_102 = arith.constant 0 : i32
      %dma_start3A_103 = tpu.memref_slice %arg8[%run_scoped3A_78, %dma_start3A_101, %dma_start3A_102] : memref<2x128x128xf32, #tpu.memory_space<vmem>> -> memref<1x128x128xf32, #tpu.memory_space<vmem>>
      %dma_start3A_104 = tpu.memref_squeeze %dma_start3A_103 : memref<1x128x128xf32, #tpu.memory_space<vmem>> -> memref<128x128xf32, #tpu.memory_space<vmem>>
      %dma_start3A_105 = arith.constant 0 : i32
      %dma_start3A_106 = tpu.memref_slice %arg9[%add3A_77, %dma_start3A_105] : memref<10112x128xf32, #tpu.memory_space<vmem_shared>> -> memref<128x128xf32, #tpu.memory_space<vmem_shared>>
      tpu.enqueue_dma source(%dma_start3A_106 : memref<128x128xf32, #tpu.memory_space<vmem_shared>>) target(%dma_start3A_104 : memref<128x128xf32, #tpu.memory_space<vmem>>) target_semaphore(%run_scoped3A_94 : memref<!tpu.dma_semaphore, #tpu.memory_space<semaphore_mem>>)
      %dma_wait3A = arith.constant 0 : i32
      %dma_wait3A_107 = arith.constant 0 : i32
      %dma_wait3A_108 = tpu.memref_slice %arg8[%run_scoped3A_78, %dma_wait3A, %dma_wait3A_107] : memref<2x128x128xf32, #tpu.memory_space<vmem>> -> memref<1x128x128xf32, #tpu.memory_space<vmem>>
      %dma_wait3A_109 = tpu.memref_squeeze %dma_wait3A_108 : memref<1x128x128xf32, #tpu.memory_space<vmem>> -> memref<128x128xf32, #tpu.memory_space<vmem>>
      %dma_wait3A_110 = arith.constant 0 : i32
      %dma_wait3A_111 = tpu.memref_slice %arg9[%add3A_77, %dma_wait3A_110] : memref<10112x128xf32, #tpu.memory_space<vmem_shared>> -> memref<128x128xf32, #tpu.memory_space<vmem_shared>>
      %dma_wait3A_112 = arith.constant 0 : i32
      %dma_wait3A_113 = arith.constant 0 : i32
      %dma_wait3A_114 = tpu.memref_slice %arg8[%run_scoped3A_78, %dma_wait3A_112, %dma_wait3A_113] : memref<2x128x128xf32, #tpu.memory_space<vmem>> -> memref<1x128x128xf32, #tpu.memory_space<vmem>>
      %dma_wait3A_115 = tpu.memref_squeeze %dma_wait3A_114 : memref<1x128x128xf32, #tpu.memory_space<vmem>> -> memref<128x128xf32, #tpu.memory_space<vmem>>
      %dma_wait3A_116 = arith.constant 0 : i32
      %dma_wait3A_117 = tpu.memref_slice %arg9[%add3A_77, %dma_wait3A_116] : memref<10112x128xf32, #tpu.memory_space<vmem_shared>> -> memref<128x128xf32, #tpu.memory_space<vmem_shared>>
      tpu.wait_dma2 semaphore(%run_scoped3A_94 : memref<!tpu.dma_semaphore, #tpu.memory_space<semaphore_mem>>) src(%dma_wait3A_117 : memref<128x128xf32, #tpu.memory_space<vmem_shared>>) dst(%dma_wait3A_115 : memref<128x128xf32, #tpu.memory_space<vmem>>)
      tpu.yield
    }) : () -> ()
    %add3A_79 = arith.constant 256 : i32
    %add3A_80 = arith.addi %mul3A_10, %add3A_79 : i32
    %run_scoped3A_81 = arith.constant 0 : i32
    "tpu.region"() ({
      %run_scoped3A_94 = tpu.sem_alloc : memref<!tpu.dma_semaphore, #tpu.memory_space<semaphore_mem>>
      %dma_start3A_95 = arith.constant 0 : i32
      %dma_start3A_96 = arith.constant 0 : i32
      %dma_start3A_97 = tpu.memref_slice %arg8[%run_scoped3A_81, %dma_start3A_95, %dma_start3A_96] : memref<2x128x128xf32, #tpu.memory_space<vmem>> -> memref<1x128x128xf32, #tpu.memory_space<vmem>>
      %dma_start3A_98 = tpu.memref_squeeze %dma_start3A_97 : memref<1x128x128xf32, #tpu.memory_space<vmem>> -> memref<128x128xf32, #tpu.memory_space<vmem>>
      %dma_start3A_99 = arith.constant 0 : i32
      %dma_start3A_100 = tpu.memref_slice %arg5[%arg0, %add3A_80, %dma_start3A_99] : memref<2x10112x128xf32, #tpu.memory_space<hbm>> -> memref<1x128x128xf32, #tpu.memory_space<hbm>>
      %dma_start3A_101 = tpu.memref_squeeze %dma_start3A_100 : memref<1x128x128xf32, #tpu.memory_space<hbm>> -> memref<128x128xf32, #tpu.memory_space<hbm>>
      %dma_start3A_102 = arith.constant 0 : i32
      %dma_start3A_103 = tpu.memref_slice %arg5[%arg0, %add3A_80, %dma_start3A_102] : memref<2x10112x128xf32, #tpu.memory_space<hbm>> -> memref<1x128x128xf32, #tpu.memory_space<hbm>>
      %dma_start3A_104 = tpu.memref_squeeze %dma_start3A_103 : memref<1x128x128xf32, #tpu.memory_space<hbm>> -> memref<128x128xf32, #tpu.memory_space<hbm>>
      %dma_start3A_105 = arith.constant 0 : i32
      %dma_start3A_106 = arith.constant 0 : i32
      %dma_start3A_107 = tpu.memref_slice %arg8[%run_scoped3A_81, %dma_start3A_105, %dma_start3A_106] : memref<2x128x128xf32, #tpu.memory_space<vmem>> -> memref<1x128x128xf32, #tpu.memory_space<vmem>>
      %dma_start3A_108 = tpu.memref_squeeze %dma_start3A_107 : memref<1x128x128xf32, #tpu.memory_space<vmem>> -> memref<128x128xf32, #tpu.memory_space<vmem>>
      tpu.enqueue_dma source(%dma_start3A_108 : memref<128x128xf32, #tpu.memory_space<vmem>>) target(%dma_start3A_104 : memref<128x128xf32, #tpu.memory_space<hbm>>) target_semaphore(%run_scoped3A_94 : memref<!tpu.dma_semaphore, #tpu.memory_space<semaphore_mem>>)
      %dma_wait3A = arith.constant 0 : i32
      %dma_wait3A_109 = arith.constant 0 : i32
      %dma_wait3A_110 = tpu.memref_slice %arg8[%run_scoped3A_81, %dma_wait3A, %dma_wait3A_109] : memref<2x128x128xf32, #tpu.memory_space<vmem>> -> memref<1x128x128xf32, #tpu.memory_space<vmem>>
      %dma_wait3A_111 = tpu.memref_squeeze %dma_wait3A_110 : memref<1x128x128xf32, #tpu.memory_space<vmem>> -> memref<128x128xf32, #tpu.memory_space<vmem>>
      %dma_wait3A_112 = arith.constant 0 : i32
      %dma_wait3A_113 = tpu.memref_slice %arg5[%arg0, %add3A_80, %dma_wait3A_112] : memref<2x10112x128xf32, #tpu.memory_space<hbm>> -> memref<1x128x128xf32, #tpu.memory_space<hbm>>
      %dma_wait3A_114 = tpu.memref_squeeze %dma_wait3A_113 : memref<1x128x128xf32, #tpu.memory_space<hbm>> -> memref<128x128xf32, #tpu.memory_space<hbm>>
      %dma_wait3A_115 = arith.constant 0 : i32
      %dma_wait3A_116 = tpu.memref_slice %arg5[%arg0, %add3A_80, %dma_wait3A_115] : memref<2x10112x128xf32, #tpu.memory_space<hbm>> -> memref<1x128x128xf32, #tpu.memory_space<hbm>>
      %dma_wait3A_117 = tpu.memref_squeeze %dma_wait3A_116 : memref<1x128x128xf32, #tpu.memory_space<hbm>> -> memref<128x128xf32, #tpu.memory_space<hbm>>
      %dma_wait3A_118 = arith.constant 0 : i32
      %dma_wait3A_119 = arith.constant 0 : i32
      %dma_wait3A_120 = tpu.memref_slice %arg8[%run_scoped3A_81, %dma_wait3A_118, %dma_wait3A_119] : memref<2x128x128xf32, #tpu.memory_space<vmem>> -> memref<1x128x128xf32, #tpu.memory_space<vmem>>
      %dma_wait3A_121 = tpu.memref_squeeze %dma_wait3A_120 : memref<1x128x128xf32, #tpu.memory_space<vmem>> -> memref<128x128xf32, #tpu.memory_space<vmem>>
      tpu.wait_dma2 semaphore(%run_scoped3A_94 : memref<!tpu.dma_semaphore, #tpu.memory_space<semaphore_mem>>) src(%dma_wait3A_121 : memref<128x128xf32, #tpu.memory_space<vmem>>) dst(%dma_wait3A_117 : memref<128x128xf32, #tpu.memory_space<hbm>>)
      tpu.yield
    }) : () -> ()
    %add3A_82 = arith.constant 384 : i32
    %add3A_83 = arith.addi %mul3A_10, %add3A_82 : i32
    %run_scoped3A_84 = arith.constant 0 : i32
    "tpu.region"() ({
      %run_scoped3A_94 = tpu.sem_alloc : memref<!tpu.dma_semaphore, #tpu.memory_space<semaphore_mem>>
      %dma_start3A_95 = arith.constant 0 : i32
      %dma_start3A_96 = arith.constant 0 : i32
      %dma_start3A_97 = tpu.memref_slice %arg8[%run_scoped3A_84, %dma_start3A_95, %dma_start3A_96] : memref<2x128x128xf32, #tpu.memory_space<vmem>> -> memref<1x128x128xf32, #tpu.memory_space<vmem>>
      %dma_start3A_98 = tpu.memref_squeeze %dma_start3A_97 : memref<1x128x128xf32, #tpu.memory_space<vmem>> -> memref<128x128xf32, #tpu.memory_space<vmem>>
      %dma_start3A_99 = arith.constant 0 : i32
      %dma_start3A_100 = tpu.memref_slice %arg9[%add3A_83, %dma_start3A_99] : memref<10112x128xf32, #tpu.memory_space<vmem_shared>> -> memref<128x128xf32, #tpu.memory_space<vmem_shared>>
      %dma_start3A_101 = arith.constant 0 : i32
      %dma_start3A_102 = arith.constant 0 : i32
      %dma_start3A_103 = tpu.memref_slice %arg8[%run_scoped3A_84, %dma_start3A_101, %dma_start3A_102] : memref<2x128x128xf32, #tpu.memory_space<vmem>> -> memref<1x128x128xf32, #tpu.memory_space<vmem>>
      %dma_start3A_104 = tpu.memref_squeeze %dma_start3A_103 : memref<1x128x128xf32, #tpu.memory_space<vmem>> -> memref<128x128xf32, #tpu.memory_space<vmem>>
      %dma_start3A_105 = arith.constant 0 : i32
      %dma_start3A_106 = tpu.memref_slice %arg9[%add3A_83, %dma_start3A_105] : memref<10112x128xf32, #tpu.memory_space<vmem_shared>> -> memref<128x128xf32, #tpu.memory_space<vmem_shared>>
      tpu.enqueue_dma source(%dma_start3A_106 : memref<128x128xf32, #tpu.memory_space<vmem_shared>>) target(%dma_start3A_104 : memref<128x128xf32, #tpu.memory_space<vmem>>) target_semaphore(%run_scoped3A_94 : memref<!tpu.dma_semaphore, #tpu.memory_space<semaphore_mem>>)
      %dma_wait3A = arith.constant 0 : i32
      %dma_wait3A_107 = arith.constant 0 : i32
      %dma_wait3A_108 = tpu.memref_slice %arg8[%run_scoped3A_84, %dma_wait3A, %dma_wait3A_107] : memref<2x128x128xf32, #tpu.memory_space<vmem>> -> memref<1x128x128xf32, #tpu.memory_space<vmem>>
      %dma_wait3A_109 = tpu.memref_squeeze %dma_wait3A_108 : memref<1x128x128xf32, #tpu.memory_space<vmem>> -> memref<128x128xf32, #tpu.memory_space<vmem>>
      %dma_wait3A_110 = arith.constant 0 : i32
      %dma_wait3A_111 = tpu.memref_slice %arg9[%add3A_83, %dma_wait3A_110] : memref<10112x128xf32, #tpu.memory_space<vmem_shared>> -> memref<128x128xf32, #tpu.memory_space<vmem_shared>>
      %dma_wait3A_112 = arith.constant 0 : i32
      %dma_wait3A_113 = arith.constant 0 : i32
      %dma_wait3A_114 = tpu.memref_slice %arg8[%run_scoped3A_84, %dma_wait3A_112, %dma_wait3A_113] : memref<2x128x128xf32, #tpu.memory_space<vmem>> -> memref<1x128x128xf32, #tpu.memory_space<vmem>>
      %dma_wait3A_115 = tpu.memref_squeeze %dma_wait3A_114 : memref<1x128x128xf32, #tpu.memory_space<vmem>> -> memref<128x128xf32, #tpu.memory_space<vmem>>
      %dma_wait3A_116 = arith.constant 0 : i32
      %dma_wait3A_117 = tpu.memref_slice %arg9[%add3A_83, %dma_wait3A_116] : memref<10112x128xf32, #tpu.memory_space<vmem_shared>> -> memref<128x128xf32, #tpu.memory_space<vmem_shared>>
      tpu.wait_dma2 semaphore(%run_scoped3A_94 : memref<!tpu.dma_semaphore, #tpu.memory_space<semaphore_mem>>) src(%dma_wait3A_117 : memref<128x128xf32, #tpu.memory_space<vmem_shared>>) dst(%dma_wait3A_115 : memref<128x128xf32, #tpu.memory_space<vmem>>)
      tpu.yield
    }) : () -> ()
    %add3A_85 = arith.constant 384 : i32
    %add3A_86 = arith.addi %mul3A_10, %add3A_85 : i32
    %run_scoped3A_87 = arith.constant 0 : i32
    "tpu.region"() ({
      %run_scoped3A_94 = tpu.sem_alloc : memref<!tpu.dma_semaphore, #tpu.memory_space<semaphore_mem>>
      %dma_start3A_95 = arith.constant 0 : i32
      %dma_start3A_96 = arith.constant 0 : i32
      %dma_start3A_97 = tpu.memref_slice %arg8[%run_scoped3A_87, %dma_start3A_95, %dma_start3A_96] : memref<2x128x128xf32, #tpu.memory_space<vmem>> -> memref<1x128x128xf32, #tpu.memory_space<vmem>>
      %dma_start3A_98 = tpu.memref_squeeze %dma_start3A_97 : memref<1x128x128xf32, #tpu.memory_space<vmem>> -> memref<128x128xf32, #tpu.memory_space<vmem>>
      %dma_start3A_99 = arith.constant 0 : i32
      %dma_start3A_100 = tpu.memref_slice %arg5[%arg0, %add3A_86, %dma_start3A_99] : memref<2x10112x128xf32, #tpu.memory_space<hbm>> -> memref<1x128x128xf32, #tpu.memory_space<hbm>>
      %dma_start3A_101 = tpu.memref_squeeze %dma_start3A_100 : memref<1x128x128xf32, #tpu.memory_space<hbm>> -> memref<128x128xf32, #tpu.memory_space<hbm>>
      %dma_start3A_102 = arith.constant 0 : i32
      %dma_start3A_103 = tpu.memref_slice %arg5[%arg0, %add3A_86, %dma_start3A_102] : memref<2x10112x128xf32, #tpu.memory_space<hbm>> -> memref<1x128x128xf32, #tpu.memory_space<hbm>>
      %dma_start3A_104 = tpu.memref_squeeze %dma_start3A_103 : memref<1x128x128xf32, #tpu.memory_space<hbm>> -> memref<128x128xf32, #tpu.memory_space<hbm>>
      %dma_start3A_105 = arith.constant 0 : i32
      %dma_start3A_106 = arith.constant 0 : i32
      %dma_start3A_107 = tpu.memref_slice %arg8[%run_scoped3A_87, %dma_start3A_105, %dma_start3A_106] : memref<2x128x128xf32, #tpu.memory_space<vmem>> -> memref<1x128x128xf32, #tpu.memory_space<vmem>>
      %dma_start3A_108 = tpu.memref_squeeze %dma_start3A_107 : memref<1x128x128xf32, #tpu.memory_space<vmem>> -> memref<128x128xf32, #tpu.memory_space<vmem>>
      tpu.enqueue_dma source(%dma_start3A_108 : memref<128x128xf32, #tpu.memory_space<vmem>>) target(%dma_start3A_104 : memref<128x128xf32, #tpu.memory_space<hbm>>) target_semaphore(%run_scoped3A_94 : memref<!tpu.dma_semaphore, #tpu.memory_space<semaphore_mem>>)
      %dma_wait3A = arith.constant 0 : i32
      %dma_wait3A_109 = arith.constant 0 : i32
      %dma_wait3A_110 = tpu.memref_slice %arg8[%run_scoped3A_87, %dma_wait3A, %dma_wait3A_109] : memref<2x128x128xf32, #tpu.memory_space<vmem>> -> memref<1x128x128xf32, #tpu.memory_space<vmem>>
      %dma_wait3A_111 = tpu.memref_squeeze %dma_wait3A_110 : memref<1x128x128xf32, #tpu.memory_space<vmem>> -> memref<128x128xf32, #tpu.memory_space<vmem>>
      %dma_wait3A_112 = arith.constant 0 : i32
      %dma_wait3A_113 = tpu.memref_slice %arg5[%arg0, %add3A_86, %dma_wait3A_112] : memref<2x10112x128xf32, #tpu.memory_space<hbm>> -> memref<1x128x128xf32, #tpu.memory_space<hbm>>
      %dma_wait3A_114 = tpu.memref_squeeze %dma_wait3A_113 : memref<1x128x128xf32, #tpu.memory_space<hbm>> -> memref<128x128xf32, #tpu.memory_space<hbm>>
      %dma_wait3A_115 = arith.constant 0 : i32
      %dma_wait3A_116 = tpu.memref_slice %arg5[%arg0, %add3A_86, %dma_wait3A_115] : memref<2x10112x128xf32, #tpu.memory_space<hbm>> -> memref<1x128x128xf32, #tpu.memory_space<hbm>>
      %dma_wait3A_117 = tpu.memref_squeeze %dma_wait3A_116 : memref<1x128x128xf32, #tpu.memory_space<hbm>> -> memref<128x128xf32, #tpu.memory_space<hbm>>
      %dma_wait3A_118 = arith.constant 0 : i32
      %dma_wait3A_119 = arith.constant 0 : i32
      %dma_wait3A_120 = tpu.memref_slice %arg8[%run_scoped3A_87, %dma_wait3A_118, %dma_wait3A_119] : memref<2x128x128xf32, #tpu.memory_space<vmem>> -> memref<1x128x128xf32, #tpu.memory_space<vmem>>
      %dma_wait3A_121 = tpu.memref_squeeze %dma_wait3A_120 : memref<1x128x128xf32, #tpu.memory_space<vmem>> -> memref<128x128xf32, #tpu.memory_space<vmem>>
      tpu.wait_dma2 semaphore(%run_scoped3A_94 : memref<!tpu.dma_semaphore, #tpu.memory_space<semaphore_mem>>) src(%dma_wait3A_121 : memref<128x128xf32, #tpu.memory_space<vmem>>) dst(%dma_wait3A_117 : memref<128x128xf32, #tpu.memory_space<hbm>>)
      tpu.yield
    }) : () -> ()
    %add3A_88 = arith.constant 512 : i32
    %add3A_89 = arith.addi %mul3A_10, %add3A_88 : i32
    %run_scoped3A_90 = arith.constant 0 : i32
    "tpu.region"() ({
      %run_scoped3A_94 = tpu.sem_alloc : memref<!tpu.dma_semaphore, #tpu.memory_space<semaphore_mem>>
      %dma_start3A_95 = arith.constant 0 : i32
      %dma_start3A_96 = arith.constant 0 : i32
      %dma_start3A_97 = tpu.memref_slice %arg8[%run_scoped3A_90, %dma_start3A_95, %dma_start3A_96] : memref<2x128x128xf32, #tpu.memory_space<vmem>> -> memref<1x120x128xf32, #tpu.memory_space<vmem>>
      %dma_start3A_98 = tpu.memref_squeeze %dma_start3A_97 : memref<1x120x128xf32, #tpu.memory_space<vmem>> -> memref<120x128xf32, #tpu.memory_space<vmem>>
      %dma_start3A_99 = arith.constant 0 : i32
      %dma_start3A_100 = tpu.memref_slice %arg9[%add3A_89, %dma_start3A_99] : memref<10112x128xf32, #tpu.memory_space<vmem_shared>> -> memref<120x128xf32, #tpu.memory_space<vmem_shared>>
      %dma_start3A_101 = arith.constant 0 : i32
      %dma_start3A_102 = arith.constant 0 : i32
      %dma_start3A_103 = tpu.memref_slice %arg8[%run_scoped3A_90, %dma_start3A_101, %dma_start3A_102] : memref<2x128x128xf32, #tpu.memory_space<vmem>> -> memref<1x120x128xf32, #tpu.memory_space<vmem>>
      %dma_start3A_104 = tpu.memref_squeeze %dma_start3A_103 : memref<1x120x128xf32, #tpu.memory_space<vmem>> -> memref<120x128xf32, #tpu.memory_space<vmem>>
      %dma_start3A_105 = arith.constant 0 : i32
      %dma_start3A_106 = tpu.memref_slice %arg9[%add3A_89, %dma_start3A_105] : memref<10112x128xf32, #tpu.memory_space<vmem_shared>> -> memref<120x128xf32, #tpu.memory_space<vmem_shared>>
      tpu.enqueue_dma source(%dma_start3A_106 : memref<120x128xf32, #tpu.memory_space<vmem_shared>>) target(%dma_start3A_104 : memref<120x128xf32, #tpu.memory_space<vmem>>) target_semaphore(%run_scoped3A_94 : memref<!tpu.dma_semaphore, #tpu.memory_space<semaphore_mem>>)
      %dma_wait3A = arith.constant 0 : i32
      %dma_wait3A_107 = arith.constant 0 : i32
      %dma_wait3A_108 = tpu.memref_slice %arg8[%run_scoped3A_90, %dma_wait3A, %dma_wait3A_107] : memref<2x128x128xf32, #tpu.memory_space<vmem>> -> memref<1x120x128xf32, #tpu.memory_space<vmem>>
      %dma_wait3A_109 = tpu.memref_squeeze %dma_wait3A_108 : memref<1x120x128xf32, #tpu.memory_space<vmem>> -> memref<120x128xf32, #tpu.memory_space<vmem>>
      %dma_wait3A_110 = arith.constant 0 : i32
      %dma_wait3A_111 = tpu.memref_slice %arg9[%add3A_89, %dma_wait3A_110] : memref<10112x128xf32, #tpu.memory_space<vmem_shared>> -> memref<120x128xf32, #tpu.memory_space<vmem_shared>>
      %dma_wait3A_112 = arith.constant 0 : i32
      %dma_wait3A_113 = arith.constant 0 : i32
      %dma_wait3A_114 = tpu.memref_slice %arg8[%run_scoped3A_90, %dma_wait3A_112, %dma_wait3A_113] : memref<2x128x128xf32, #tpu.memory_space<vmem>> -> memref<1x120x128xf32, #tpu.memory_space<vmem>>
      %dma_wait3A_115 = tpu.memref_squeeze %dma_wait3A_114 : memref<1x120x128xf32, #tpu.memory_space<vmem>> -> memref<120x128xf32, #tpu.memory_space<vmem>>
      %dma_wait3A_116 = arith.constant 0 : i32
      %dma_wait3A_117 = tpu.memref_slice %arg9[%add3A_89, %dma_wait3A_116] : memref<10112x128xf32, #tpu.memory_space<vmem_shared>> -> memref<120x128xf32, #tpu.memory_space<vmem_shared>>
      tpu.wait_dma2 semaphore(%run_scoped3A_94 : memref<!tpu.dma_semaphore, #tpu.memory_space<semaphore_mem>>) src(%dma_wait3A_117 : memref<120x128xf32, #tpu.memory_space<vmem_shared>>) dst(%dma_wait3A_115 : memref<120x128xf32, #tpu.memory_space<vmem>>)
      tpu.yield
    }) : () -> ()
    %add3A_91 = arith.constant 512 : i32
    %add3A_92 = arith.addi %mul3A_10, %add3A_91 : i32
    %run_scoped3A_93 = arith.constant 0 : i32
    "tpu.region"() ({
      %run_scoped3A_94 = tpu.sem_alloc : memref<!tpu.dma_semaphore, #tpu.memory_space<semaphore_mem>>
      %dma_start3A_95 = arith.constant 0 : i32
      %dma_start3A_96 = arith.constant 0 : i32
      %dma_start3A_97 = tpu.memref_slice %arg8[%run_scoped3A_93, %dma_start3A_95, %dma_start3A_96] : memref<2x128x128xf32, #tpu.memory_space<vmem>> -> memref<1x120x128xf32, #tpu.memory_space<vmem>>
      %dma_start3A_98 = tpu.memref_squeeze %dma_start3A_97 : memref<1x120x128xf32, #tpu.memory_space<vmem>> -> memref<120x128xf32, #tpu.memory_space<vmem>>
      %dma_start3A_99 = arith.constant 0 : i32
      %dma_start3A_100 = tpu.memref_slice %arg5[%arg0, %add3A_92, %dma_start3A_99] : memref<2x10112x128xf32, #tpu.memory_space<hbm>> -> memref<1x120x128xf32, #tpu.memory_space<hbm>>
      %dma_start3A_101 = tpu.memref_squeeze %dma_start3A_100 : memref<1x120x128xf32, #tpu.memory_space<hbm>> -> memref<120x128xf32, #tpu.memory_space<hbm>>
      %dma_start3A_102 = arith.constant 0 : i32
      %dma_start3A_103 = tpu.memref_slice %arg5[%arg0, %add3A_92, %dma_start3A_102] : memref<2x10112x128xf32, #tpu.memory_space<hbm>> -> memref<1x120x128xf32, #tpu.memory_space<hbm>>
      %dma_start3A_104 = tpu.memref_squeeze %dma_start3A_103 : memref<1x120x128xf32, #tpu.memory_space<hbm>> -> memref<120x128xf32, #tpu.memory_space<hbm>>
      %dma_start3A_105 = arith.constant 0 : i32
      %dma_start3A_106 = arith.constant 0 : i32
      %dma_start3A_107 = tpu.memref_slice %arg8[%run_scoped3A_93, %dma_start3A_105, %dma_start3A_106] : memref<2x128x128xf32, #tpu.memory_space<vmem>> -> memref<1x120x128xf32, #tpu.memory_space<vmem>>
      %dma_start3A_108 = tpu.memref_squeeze %dma_start3A_107 : memref<1x120x128xf32, #tpu.memory_space<vmem>> -> memref<120x128xf32, #tpu.memory_space<vmem>>
      tpu.enqueue_dma source(%dma_start3A_108 : memref<120x128xf32, #tpu.memory_space<vmem>>) target(%dma_start3A_104 : memref<120x128xf32, #tpu.memory_space<hbm>>) target_semaphore(%run_scoped3A_94 : memref<!tpu.dma_semaphore, #tpu.memory_space<semaphore_mem>>)
      %dma_wait3A = arith.constant 0 : i32
      %dma_wait3A_109 = arith.constant 0 : i32
      %dma_wait3A_110 = tpu.memref_slice %arg8[%run_scoped3A_93, %dma_wait3A, %dma_wait3A_109] : memref<2x128x128xf32, #tpu.memory_space<vmem>> -> memref<1x120x128xf32, #tpu.memory_space<vmem>>
      %dma_wait3A_111 = tpu.memref_squeeze %dma_wait3A_110 : memref<1x120x128xf32, #tpu.memory_space<vmem>> -> memref<120x128xf32, #tpu.memory_space<vmem>>
      %dma_wait3A_112 = arith.constant 0 : i32
      %dma_wait3A_113 = tpu.memref_slice %arg5[%arg0, %add3A_92, %dma_wait3A_112] : memref<2x10112x128xf32, #tpu.memory_space<hbm>> -> memref<1x120x128xf32, #tpu.memory_space<hbm>>
      %dma_wait3A_114 = tpu.memref_squeeze %dma_wait3A_113 : memref<1x120x128xf32, #tpu.memory_space<hbm>> -> memref<120x128xf32, #tpu.memory_space<hbm>>
      %dma_wait3A_115 = arith.constant 0 : i32
      %dma_wait3A_116 = tpu.memref_slice %arg5[%arg0, %add3A_92, %dma_wait3A_115] : memref<2x10112x128xf32, #tpu.memory_space<hbm>> -> memref<1x120x128xf32, #tpu.memory_space<hbm>>
      %dma_wait3A_117 = tpu.memref_squeeze %dma_wait3A_116 : memref<1x120x128xf32, #tpu.memory_space<hbm>> -> memref<120x128xf32, #tpu.memory_space<hbm>>
      %dma_wait3A_118 = arith.constant 0 : i32
      %dma_wait3A_119 = arith.constant 0 : i32
      %dma_wait3A_120 = tpu.memref_slice %arg8[%run_scoped3A_93, %dma_wait3A_118, %dma_wait3A_119] : memref<2x128x128xf32, #tpu.memory_space<vmem>> -> memref<1x120x128xf32, #tpu.memory_space<vmem>>
      %dma_wait3A_121 = tpu.memref_squeeze %dma_wait3A_120 : memref<1x120x128xf32, #tpu.memory_space<vmem>> -> memref<120x128xf32, #tpu.memory_space<vmem>>
      tpu.wait_dma2 semaphore(%run_scoped3A_94 : memref<!tpu.dma_semaphore, #tpu.memory_space<semaphore_mem>>) src(%dma_wait3A_121 : memref<120x128xf32, #tpu.memory_space<vmem>>) dst(%dma_wait3A_117 : memref<120x128xf32, #tpu.memory_space<hbm>>)
      tpu.yield
    }) : () -> ()
    return
  }
}

module attributes {stable_mosaic.version = 14 : i64} {
  func.func @_mlp_body(%arg0: i32, %arg1: memref<1000x128xf32, #tpu.memory_space<vmem>>, %arg2: memref<2x1000x128xf32, #tpu.memory_space<vmem>>, %arg3: memref<1x1xf32, #tpu.memory_space<smem>>, %arg4: memref<128x128xf32, #tpu.memory_space<vmem>>, %arg5: memref<1x128xf32, #tpu.memory_space<vmem>>, %arg6: memref<128x128xf32, #tpu.memory_space<vmem>>, %arg7: memref<1x128xf32, #tpu.memory_space<vmem>>, %arg8: memref<1000x128xf32, #tpu.memory_space<vmem>>) attributes {dimension_semantics = [#tpu.dimension_semantics<arbitrary>], iteration_bounds = array<i64: 10>, scalar_prefetch = 0 : i64, scratch_operands = 0 : i64, tpu.core_type = #tpu.core_type<tc>, window_params = [{transform_indices = @transform_0, window_bounds = array<i64: 1000, 128>}, {transform_indices = @transform_1, window_bounds = array<i64: 2, 1000, 128>}, {transform_indices = @transform_2, window_bounds = array<i64: 1, 1>}, {pipeline_mode = #tpu.pipeline_mode<synchronous>, transform_indices = @transform_3, window_bounds = array<i64: 128, 128>}, {pipeline_mode = #tpu.pipeline_mode<synchronous>, transform_indices = @transform_4, window_bounds = array<i64: 1, 128>}, {pipeline_mode = #tpu.pipeline_mode<synchronous>, transform_indices = @transform_5, window_bounds = array<i64: 128, 128>}, {pipeline_mode = #tpu.pipeline_mode<synchronous>, transform_indices = @transform_6, window_bounds = array<i64: 1, 128>}, {transform_indices = @transform_7, window_bounds = array<i64: 1000, 128>}]} {
    %get3A = arith.constant 0 : index
    %get3A_0 = arith.constant 0 : index
    %get3A_1 = vector.load %arg1[%get3A, %get3A_0] : memref<1000x128xf32, #tpu.memory_space<vmem>>, vector<1000x128xf32>
    %get3A_2 = arith.constant 0 : index
    %get3A_3 = arith.constant 0 : index
    %get3A_4 = memref.load %arg3[%get3A_2, %get3A_3] : memref<1x1xf32, #tpu.memory_space<smem>>
    %mul3A = vector.broadcast %get3A_4 : f32 to vector<1000x128xf32>
    %mul3A_5 = arith.mulf %get3A_1, %mul3A : vector<1000x128xf32>
    %get3A_6 = arith.constant 0 : index
    %get3A_7 = arith.constant 0 : index
    %get3A_8 = arith.constant 0 : index
    %get3A_9 = vector.load %arg2[%get3A_6, %get3A_7, %get3A_8] : memref<2x1000x128xf32, #tpu.memory_space<vmem>>, vector<1x1000x128xf32>
    %get3A_10 = vector.shape_cast %get3A_9 : vector<1x1000x128xf32> to vector<1000x128xf32>
    %add3A = arith.addf %mul3A_5, %get3A_10 : vector<1000x128xf32>
    %get3A_11 = arith.constant 1 : index
    %get3A_12 = arith.constant 0 : index
    %get3A_13 = arith.constant 0 : index
    %get3A_14 = vector.load %arg2[%get3A_11, %get3A_12, %get3A_13] : memref<2x1000x128xf32, #tpu.memory_space<vmem>>, vector<1x1000x128xf32>
    %get3A_15 = vector.shape_cast %get3A_14 : vector<1x1000x128xf32> to vector<1000x128xf32>
    %add3A_16 = arith.addf %add3A, %get3A_15 : vector<1000x128xf32>
    %get3A_17 = arith.constant 0 : index
    %get3A_18 = arith.constant 0 : index
    %get3A_19 = vector.load %arg4[%get3A_17, %get3A_18] : memref<128x128xf32, #tpu.memory_space<vmem>>, vector<128x128xf32>
    %dot_general3A = arith.constant dense<0.000000e+00> : vector<1000x128xf32>
    %dot_general3A_20 = tpu.matmul %add3A_16, %get3A_19, %dot_general3A {dimension_numbers = #tpu.dot_dimension_numbers<[1], [0], [0], [1], [0, 0, 1, 1], [], []>, precision = #tpu.contract_precision<fp32>, transpose_lhs_hint = false} : vector<1000x128xf32>, vector<128x128xf32>, vector<1000x128xf32> -> vector<1000x128xf32>
    %get3A_21 = arith.constant 0 : index
    %get3A_22 = arith.constant 0 : index
    %get3A_23 = vector.load %arg5[%get3A_21, %get3A_22] : memref<1x128xf32, #tpu.memory_space<vmem>>, vector<1x128xf32>
    %add3A_24 = vector.broadcast %get3A_23 : vector<1x128xf32> to vector<1000x128xf32>
    %add3A_25 = arith.addf %dot_general3A_20, %add3A_24 : vector<1000x128xf32>
    %max3A = arith.constant 0.000000e+00 : f32
    %max3A_26 = vector.broadcast %max3A : f32 to vector<1000x128xf32>
    %max3A_27 = arith.maximumf %add3A_25, %max3A_26 : vector<1000x128xf32>
    %get3A_28 = arith.constant 0 : index
    %get3A_29 = arith.constant 0 : index
    %get3A_30 = vector.load %arg6[%get3A_28, %get3A_29] : memref<128x128xf32, #tpu.memory_space<vmem>>, vector<128x128xf32>
    %dot_general3A_31 = arith.constant dense<0.000000e+00> : vector<1000x128xf32>
    %dot_general3A_32 = tpu.matmul %max3A_27, %get3A_30, %dot_general3A_31 {dimension_numbers = #tpu.dot_dimension_numbers<[1], [0], [0], [1], [0, 0, 1, 1], [], []>, precision = #tpu.contract_precision<fp32>, transpose_lhs_hint = false} : vector<1000x128xf32>, vector<128x128xf32>, vector<1000x128xf32> -> vector<1000x128xf32>
    %get3A_33 = arith.constant 0 : index
    %get3A_34 = arith.constant 0 : index
    %get3A_35 = vector.load %arg7[%get3A_33, %get3A_34] : memref<1x128xf32, #tpu.memory_space<vmem>>, vector<1x128xf32>
    %add3A_36 = vector.broadcast %get3A_35 : vector<1x128xf32> to vector<1000x128xf32>
    %add3A_37 = arith.addf %dot_general3A_32, %add3A_36 : vector<1000x128xf32>
    %swap3A = arith.constant 0 : index
    %swap3A_38 = arith.constant 0 : index
    %swap3A_39 = vector.load %arg8[%swap3A, %swap3A_38] : memref<1000x128xf32, #tpu.memory_space<vmem>>, vector<1000x128xf32>
    tpu.vector_store %arg8[%swap3A, %swap3A_38], %add3A_37 {strides = array<i32>} : memref<1000x128xf32, #tpu.memory_space<vmem>>, vector<1000x128xf32>,
    return
  }
  func.func @transform_0(%arg0: i32) -> (i32, i32) {
    %c0_i32 = arith.constant 0 : i32
    %c0_i32_0 = arith.constant 0 : i32
    return %arg0, %c0_i32 : i32, i32
  }
  func.func @transform_1(%arg0: i32) -> (i32, i32, i32) {
    %c0_i32 = arith.constant 0 : i32
    %c0_i32_0 = arith.constant 0 : i32
    %c0_i32_1 = arith.constant 0 : i32
    return %c0_i32, %arg0, %c0_i32_0 : i32, i32, i32
  }
  func.func @transform_2(%arg0: i32) -> (i32, i32) {
    %c0_i32 = arith.constant 0 : i32
    %c0_i32_0 = arith.constant 0 : i32
    %c0_i32_1 = arith.constant 0 : i32
    return %c0_i32, %c0_i32_0 : i32, i32
  }
  func.func @transform_3(%arg0: i32) -> (i32, i32) {
    %c0_i32 = arith.constant 0 : i32
    %c0_i32_0 = arith.constant 0 : i32
    %c0_i32_1 = arith.constant 0 : i32
    return %c0_i32, %c0_i32_0 : i32, i32
  }
  func.func @transform_4(%arg0: i32) -> (i32, i32) {
    %c0_i32 = arith.constant 0 : i32
    %c0_i32_0 = arith.constant 0 : i32
    %c0_i32_1 = arith.constant 0 : i32
    return %c0_i32, %c0_i32_0 : i32, i32
  }
  func.func @transform_5(%arg0: i32) -> (i32, i32) {
    %c0_i32 = arith.constant 0 : i32
    %c0_i32_0 = arith.constant 0 : i32
    %c0_i32_1 = arith.constant 0 : i32
    return %c0_i32, %c0_i32_0 : i32, i32
  }
  func.func @transform_6(%arg0: i32) -> (i32, i32) {
    %c0_i32 = arith.constant 0 : i32
    %c0_i32_0 = arith.constant 0 : i32
    %c0_i32_1 = arith.constant 0 : i32
    return %c0_i32, %c0_i32_0 : i32, i32
  }
  func.func @transform_7(%arg0: i32) -> (i32, i32) {
    %c0_i32 = arith.constant 0 : i32
    %c0_i32_0 = arith.constant 0 : i32
    return %arg0, %c0_i32 : i32, i32
  }
}

</mosaic_0001>

<sc_bundles>
// kernel: kernel.4.cloned.1.call-start
scs
__scs_entry_jumppad:
0x0: {  	(pc) =	sbr.rel $0x88, $3  }
0x1: {  	(tag) =	ssettag $0x0;
	lr =	simm.s32 $0x1  }
0x2: {  	[smem:$0x3F9A] =	sst lr;
	_ =	strace $0xD0000000  }
0x3: {  	_ = 	snop  }
0x4: {  	_ = 	snop  }
0x5: {  	_ = 	snop  }
0x6: {  	_ = 	snop  }
0x7: {  	_ = 	snop  }
__scs_overlays_trampoline_lowered:
0x8: {  	[smem:$0x3FA9] =	sst s0  }
0x9: {  	[smem:$0x3FAA] =	sst s1  }
0xa: {  	[smem:$0x3FAB] =	sst s2  }
0xb: {  	[smem:$0x3FAC] =	sst s3  }
0xc: {  	[smem:$0x3FAD] =	sst s4  }
0xd: {  	[smem:$0x3FAE] =	sst s5  }
0xe: {  	[smem:$0x3FAF] =	sst s6  }
0xf: {  	[smem:$0x3FB0] =	sst s7  }
0x10: {  	[smem:$0x3FB1] =	sst s8  }
0x11: {  	[smem:$0x3FB2] =	sst s9;
	s0 =	simm.s32 @!p0 $0x0  }
0x12: {  	s1 =	sld [smem:$0x3F98];
	s0 =	simm.s32 @p0 $0x1  }
0x13: {  	[smem:$0x3FB3] =	sst s0;
	s0 =	simm.s32 @!p1 $0x0  }
0x14: {  	s2 =	sld [smem:$0x3F97];
	s0 =	simm.s32 @p1 $0x1  }
0x15: {  	[smem:$0x3FB4] =	sst s0;
	s0 =	simm.s32 @!p2 $0x0  }
0x16: {  	s3 =	sld [smem:$0x3FDB];
	s0 =	simm.s32 @p2 $0x1  }
0x17: {  	s4 =	simm.s32 $0x1BF5;
	[smem:$0x3FB6] =	sst s0  }
0x18: {  	s0 =	sld [smem:$0x3F99];
	_ =	swait.ge [sflag:s4], $0x0  }
0x19: {  	s7 =	sld [smem:$0x3F9A]  }
0x1a: {  	s8 =	sadd.s32 $0xFFFFE003, lr  }
0x1b: {  	s9 =	sadd.s32 $0xFFFFFEF7, lr;
	s5 =	simm.s32 $0xFFFFFFFF;
	p2 =	slt.u32 s8, $0xFFFFF086  }
0x1c: {  	p1 =	slt.u32 s9, $0xF7A;
	s5 =	simm.s32 @!p2 $0x0  }
0x1d: {  	s5 =	simm.s32 @p1 $0x1;
	p0 =	seq.s32 s7, s2  }
0x1e: {  	s7 =	smul.u32 @!p0 $0xF7A, s2;
	p2 =	seq.s32 @!p0 s5, $0x0  }
0x1f: {  	s9 =	smul.u32 $0xF7A, s1;
	s8 =	simm.s32 @!p0 $0x1BF5;
	p2 =	por !p2, p0  }
0x20: {  	[sflag:s8] =	ssyncset.s32 @!p0 $0xFFFFF086;
	s6 =	sadd.s32 @!p0 s3, s7;
	s7 =	simm.s32 @!p0 $0x108  }
0x21: {  	s3 =	sadd.s32 s3, s9;
	s6 =	sadd.s32 @!p0 $0x88, s6;
	s7 =	simm.s32 @p2 $0x1082  }
0x22: {  	[simem:s7], [sflag:s8] =	dma.local @!p0 [hbm:s6], $0xF7A  }
0x23: {  	s9 =	sor.u32 $0xD0000000, s2;
	s6 =	simm.s32 $0x108;
	_ =	swait.ge @!p0 [sflag:s8], $0x0  }
0x24: {  	s3 =	sadd.s32 $0x88, s3;
	s6 =	simm.s32 @!p1 $0x1082;
	[sflag:s4] =	ssyncset.s32 $0xFFFFF086  }
0x25: {  	[simem:s6], [sflag:s4] =	dma.local [hbm:s3], $0xF7A  }
0x26: {  	[smem:$0x3F9A] =	sst s1;
	(tag) =	ssettag s2;
	_ =	strace s9  }
0x27: {  	s1 =	sld [smem:$0x3FAA]  }
0x28: {  	s2 =	sld [smem:$0x3FAB]  }
0x29: {  	s4 =	sld [smem:$0x3FAD]  }
0x2a: {  	p0 =	seq.s32 s5, $0x0;
	s5 =	sld [smem:$0x3FAE]  }
0x2b: {  	s6 =	sld [smem:$0x3FAF]  }
0x2c: {  	s7 =	sld [smem:$0x3FB0]  }
0x2d: {  	s3 =	simm.s32 $0x108;
	s8 =	sld [smem:$0x3FB1]  }
0x2e: {  	s3 =	simm.s32 @!p0 $0x1082;
	s9 =	sld [smem:$0x3FB2]  }
0x2f: {  	lr =	sadd.s32 s0, s3;
	s0 =	sld [smem:$0x3FA9]  }
0x30: {  	s3 =	sld [smem:$0x3FAC]  }
0x31: {  	[smem:$0x3FB5] =	sst s10  }
0x32: {  	s10 =	sld [smem:$0x3FB3];
	_ =	sdelay $0x3  }
0x33: {  	p0 =	seq.s32 s10, $0x1;
	s10 =	sld [smem:$0x3FB5];
	_ =	sdelay $0x3  }
0x34: {  	[smem:$0x3FB5] =	sst s10  }
0x35: {  	s10 =	sld [smem:$0x3FB4];
	_ =	sdelay $0x3  }
0x36: {  	p1 =	seq.s32 s10, $0x1;
	s10 =	sld [smem:$0x3FB5];
	_ =	sdelay $0x3  }
0x37: {  	[smem:$0x3FB5] =	sst s10  }
0x38: {  	s10 =	sld [smem:$0x3FB6]  }
0x39: {  	_ = 	snop;
	(pc) =	sbr.ind lr, $3  }
0x3a: {  	_ = 	snop  }
0x3b: {  	_ = 	snop  }
0x3c: {  	p2 =	seq.s32 s10, $0x1;
	s10 =	sld [smem:$0x3FB5]  }
0x3d: {  	_ =	shalt  }
0x3e: {  	_ =	shalt  }
0x3f: {  	_ =	shalt  }
0x40: {  	_ =	shalt  }
0x41: {  	_ =	shalt  }
0x42: {  	_ =	shalt  }
0x43: {  	_ =	shalt  }
0x44: {  	_ =	shalt  }
0x45: {  	_ =	shalt  }
0x46: {  	_ =	shalt  }
0x47: {  	_ =	shalt  }
0x48: {  	_ =	shalt  }
0x49: {  	_ =	shalt  }
0x4a: {  	_ =	shalt  }
0x4b: {  	_ =	shalt  }
0x4c: {  	_ =	shalt  }
0x4d: {  	_ =	shalt  }
0x4e: {  	_ =	shalt  }
0x4f: {  	_ =	shalt  }
0x50: {  	_ =	shalt  }
0x51: {  	_ =	shalt  }
0x52: {  	_ =	shalt  }
0x53: {  	_ =	shalt  }
0x54: {  	_ =	shalt  }
0x55: {  	_ =	shalt  }
0x56: {  	_ =	shalt  }
0x57: {  	_ =	shalt  }
0x58: {  	_ =	shalt  }
0x59: {  	_ =	shalt  }
0x5a: {  	_ =	shalt  }
0x5b: {  	_ =	shalt  }
0x5c: {  	_ =	shalt  }
0x5d: {  	_ =	shalt  }
0x5e: {  	_ =	shalt  }
0x5f: {  	_ =	shalt  }
0x60: {  	_ =	shalt  }
0x61: {  	_ =	shalt  }
0x62: {  	_ =	shalt  }
0x63: {  	_ =	shalt  }
0x64: {  	_ =	shalt  }
0x65: {  	_ =	shalt  }
0x66: {  	_ =	shalt  }
0x67: {  	_ =	shalt  }
0x68: {  	_ =	shalt  }
0x69: {  	_ =	shalt  }
0x6a: {  	_ =	shalt  }
0x6b: {  	_ =	shalt  }
0x6c: {  	_ =	shalt  }
0x6d: {  	_ =	shalt  }
0x6e: {  	_ =	shalt  }
0x6f: {  	_ =	shalt  }
0x70: {  	_ =	shalt  }
0x71: {  	_ =	shalt  }
0x72: {  	_ =	shalt  }
0x73: {  	_ =	shalt  }
0x74: {  	_ =	shalt  }
0x75: {  	_ =	shalt  }
0x76: {  	_ =	shalt  }
0x77: {  	_ =	shalt  }
0x78: {  	_ =	shalt  }
0x79: {  	_ =	shalt  }
0x7a: {  	_ =	shalt  }
0x7b: {  	_ =	shalt  }
0x7c: {  	_ =	shalt  }
0x7d: {  	_ =	shalt  }
0x7e: {  	_ =	shalt  }
0x7f: {  	_ =	shalt  }
0x80: {  	_ =	shalt  }
0x81: {  	_ =	shalt  }
0x82: {  	_ =	shalt  }
0x83: {  	_ =	shalt  }
0x84: {  	_ =	shalt  }
0x85: {  	_ =	shalt  }
0x86: {  	_ =	shalt  }
0x87: {  	_ =	shalt  }
.Lfunc_end0:
.L_simem_size_0:
called_computation_lowered:
.L_overlay_start_0:
0x88: {  	s2 =	sld [smem:$0x3FD9]  }
0x89: {  	s3 =	sld [smem:$0x3FFE];
	_ =	sdelay $0x1  }
0x8a: {  	s1 =	srdreg.scid  }
0x8b: {  	s0 =	sand.u32 $0x1, s1  }
0x8c: {  	s17 =	sshll.u32 s0, $0xA;
	s2 =	sadd.s32 s3, s2  }
0x8d: {  	s2 =	sadd.s32 s2, s17  }
0x8e: {  	[smem:$0x3FC1] =	sst s2  }
0x8f: {  	_ = 	snop  }
0x90: {  	s2 =	sld [smem:$0x3FC9]  }
0x91: {  	s18 =	sld [smem:$0x3FD0];
	(tm) =	ssettm $0x1  }
0x92: {  	s4 =	sld [smem:$0x3FFB];
	_ =	sdelay $0x3  }
0x93: {  	_ =	strace s4  }
0x94: {  	s4 =	sld [smem:$0x3FFC];
	_ =	sdelay $0x3  }
0x95: {  	_ =	strace s4  }
0x96: {  	s4 =	sld [smem:$0x3FFD];
	_ =	sdelay $0x3  }
0x97: {  	_ =	strace s4  }
0x98: {  	_ =	strace $0x8FFFFFFF  }
0x99: {  	s19 =	sld [smem:$0x3FDB];
	_ =	sdelay $0x1  }
0x9a: {  	s5 =	simm.s32 $_scs_section_size  }
0x9b: {  	s6 =	simm.s32 $_size__tile_overlayer_lowered;
	s7 =	simm.s32 $_tile_overlayer_lowered  }
0x9c: {  	s22 =	simm.s32 $0x1BFF;
	s21 =	sshll.u32 s7, $0x1;
	s4 =	sadd.s32 s5, s19  }
0x9d: {  	s8 =	simm.s32 $0x0;
	s20 =	sshll.u32 s6, $0x1;
	s6 =	sadd.s32 s21, s4  }
0x9e: {  	[timem:s8], [sflag:s22] =	dma.local [hbm:s6], s20  }
0x9f: {  	_ =	swait.ge [sflag:s22], s20  }
0xa0: {  	s5 =	ssub.s32 $0x0, s20;
	[sflag:s22] =	ssyncset.done $0x0  }
0xa1: {  	[sflag:s22] =	ssyncadd.s32 s5;
	_ =	sdelay $0x1  }
0xa2: {  	s23 =	simm.s32 $0x1B8B  }
0xa3: {  	_ =	swait.ge [sflag:s23], $0x1  }
0xa4: {  	[sflag:s23] =	ssyncset.done $0x0  }
0xa5: {  	s25 =	simm.s32 $0x1B8E;
	s24 =	sld [smem:$0x3FFE];
	[sflag:s23] =	ssyncadd.s32 $0xFFFFFFFF  }
0xa6: {  	s26 =	simm.s32 $execute0_lowered;
	[smem:$0x3FD2] =	sst s25  }
0xa7: {  	s6 =	sshll.u32 s26, $0x1;
	_ =	strace $0x80000046;
	[dreg:$0x1] =	wrdreg $0xFFFFFFFF  }
0xa8: {  	s28 =	simm.s32 $_size_execute0_lowered;
	s4 =	sadd.s32 s4, s6;
	[dreg:$0x0] =	wrdreg $0x0  }
0xa9: {  	s6 =	sshll.u32 s28, $0x1;
	[dreg:$0x2] =	wrdreg s4  }
0xaa: {  	[dreg:$0x3] =	wrdreg s6  }
0xab: {  	[dreg:$0x4] =	wrdreg $0xC0  }
0xac: {  	_ =	task [dreg:s8], $0x5FFFF  }
0xad: {  	[dreg:$0x1] =	wrdreg $0xFFFFFFFF  }
0xae: {  	[dreg:$0x0] =	wrdreg $0x60  }
0xaf: {  	[dreg:$0x2] =	wrdreg s2  }
0xb0: {  	[dreg:$0x3] =	wrdreg s24  }
0xb1: {  	[dreg:$0x4] =	wrdreg s18  }
0xb2: {  	[dreg:$0x5] =	wrdreg $0xBC000  }
0xb3: {  	[dreg:$0x6] =	wrdreg $0x9  }
0xb4: {  	_ =	task.clear_ibuf [dreg:s8], $0x7FFFF;
	_ =	strace $0x90000046  }
0xb5: {  	s29 =	simm.s32 $0x9;
	_ =	strace $0x80000048  }
0xb6: {  	_ =	swait.ge [sflag:s29], $0x1  }
0xb7: {  	[sflag:s29] =	ssyncadd.s32 $0xFFFFFFFF  }
0xb8: {  	_ =	strace $0x90000048  }
0xb9: {  	_ =	sfence  }
0xba: {  	s30 =	sld [smem:$0x0];
	_ =	sdelay $0x2  }
0xbb: {  	s31 =	sshll.u32 s1, $0xD;
	s1 =	sshrl.u32 s1, $0x2  }
0xbc: {  	s3 =	sand.u32 $0x4000, s31;
	s1 =	sadd.s32 s1, s30  }
0xbd: {  	s0 =	sor.u32 s3, s0;
	s1 =	sshll.u32 s1, $0x11  }
0xbe: {  	s0 =	sor.u32 s1, s0  }
0xbf: {  	s0 =	sadd.s32 $0x8F2B, s0  }
0xc0: {  	[sflag:s0] =	ssyncadd.remote.s32 $0x1  }
0xc1: {  	_ =	sfence.sel $0xFFFF  }
0xc2: {  	[dreg:$0x0] =	wrdreg $0xFFFFFFFF;
	(pc) =	sbr.abs _section_cstart, $3  }
0xc3: {  	[dreg:$0x1] =	wrdreg $0xFFFFFFFF  }
0xc4: {  	_ =	task.clear_ibuf [dreg:s8], $0x2FFFF;
	_ =	strace $0x9FFFFFFF  }
0xc5: {  	(tm) =	ssettm $0x7FFFFFFF  }
tec
execute0_lowered:
.L_overlay_start_1:
0x0: {  	(tag) =	ssettag $0x1  }
0x1: {  	s1 =	rddreg [dreg:$0x0]  }
0x2: {  	s0 =	rddreg [dreg:$0x1]  }
0x3: {  	s12 =	rddreg [dreg:$0x2]  }
0x4: {  	s2 =	rddreg [dreg:$0x3];
	s3 =	srdreg.scid;
	s4 =	simm.s32 $0x0  }
0x5: {  	s24 =	stileid.u32;
	s22 =	simm.s32 $0x3C00;
	s23 =	simm.s32 $0x80  }
0x6: {  	s28 =	simm.s32 $0x0;
	s10 =	sand.u32 $0x1, s3;
	[smem:$0x7FF] =	sst s4  }
0x7: {  	s13 =	sadd.s32 $0x1000, s0;
	s8 =	smul.u32 $0x4F000, s24;
	s0 =	sadd.s32 $0xB000, s0  }
0x8: {  	s14 =	smul.u32 $0x13C00, s24;
	s5 =	sshll.u32 s10, $0x4;
	_ =	strace $0x80000047  }
0x9: {  	s25 =	ssub.s32 $0x2, s10;
	s21 =	smul.u32 $0x13C000, s10;
	s11 =	sor.u32 s24, s5  }
0xa: {  	s7 =	sshrl.u32 s25, $0x1;
	s29 =	sshrl.u32 s8, $0x2;
	s15 =	sadd.s32 $0x4000, s14  }
0xb: {  	s16 =	sadd.s32 $0x8000, s14;
	s18 =	sadd.s32 $0xC000, s14;
	s20 =	sadd.s32 $0x10000, s14  }
0xc: {  	s24 =	simm.s32 $0x7C00;
	s6 =	smul.u32 $0x500, s11;
	s19 =	ssub.s32 s25, s7  }
0xd: {  	s7 =	sadd.s32 s29, s2;
	s8 =	sadd.s32 s15, s2;
	s9 =	sadd.s32 s16, s2  }
0xe: {  	s17 =	smul.u32 $0x2800, s11;
	s10 =	sadd.s32 s18, s2;
	s11 =	sadd.s32 s20, s2  }
0xf: {  	s14 =	sadd.s32 s14, s21;
	s15 =	sadd.s32 s21, s15;
	s16 =	sadd.s32 s21, s16  }
0x10: {  	s30 =	sadd.s32 s21, s18;
	s31 =	sadd.s32 s21, s20;
	s20 =	simm.s32 $0x3  }
0x11: {  	s25 =	simm.s32 $0x1;
	s14 =	sshrl.u32 s14, $0x3;
	s15 =	sshrl.u32 s15, $0x3  }
0x12: {  	s16 =	sshrl.u32 s16, $0x3;
	s18 =	sshrl.u32 s31, $0x3;
	s19 =	smax.u32 s19, $0x1  }
.Ltmp0:
0x13: {  	s26 =	sadd.s32 s13, s6;
	s6 =	sadd.s32 s12, s6;
	(pc) =	sbr.rel .LBB2_1-.Ltmp0, $4  }
0x14: {  	s17 =	sshrl.u32 s17, $0x3;
	s14 =	sadd.s32 s0, s14;
	s15 =	sadd.s32 s0, s15  }
0x15: {  	s16 =	sadd.s32 s0, s16;
	s18 =	sadd.s32 s0, s18;
	s17 =	sadd.s32 $0x280, s17  }
0x16: {  	s12 =	sadd.s32 s12, s17;
	s13 =	sadd.s32 s13, s17;
	s17 =	sshrl.u32 s30, $0x3  }
0x17: {  	v0 =	vimm.f32 $0.0e+00;
	[dreg:$0x5] =	wrdreg s26;
	s26 =	simm.s32 $0x2;
	s17 =	sadd.s32 s0, s17  }
.LBB2_6:
0x18: {  	[bflag:$0x0] =	sbarrier.arrive $0xFFFF  }
0x19: {  	[tilespmem:s22], [sflag:$0x3] =	stream.linear.gather [spmem:s7], $0x4000, $0x38;
	[tilespmem:$0x1F800] =	vst v63  }
0x1a: {  	_ =	swait.ge [sflag:s20], $0x4000  }
0x1b: {  	[sflag:s20] =	ssyncset.done $0x0  }
0x1c: {  	[sflag:s20] =	ssyncadd.s32 $0xFFFFC000  }
0x1d: {  	[hbm4b:s14+s4] =	stream.linear.scatter [tilespmem:s22], [sflag:$0x3], $0x4000, $0x38;
	[tilespmem:$0x1F800] =	vst v63  }
0x1e: {  	_ =	swait.ge [sflag:s20], $0x4000  }
0x1f: {  	[sflag:s20] =	ssyncset.done $0x0  }
0x20: {  	[sflag:s20] =	ssyncadd.s32 $0xFFFFC000  }
0x21: {  	[tilespmem:s22], [sflag:$0x3] =	stream.linear.gather [spmem:s8], $0x4000, $0x38;
	[tilespmem:$0x1F800] =	vst v63  }
0x22: {  	_ =	swait.ge [sflag:s20], $0x4000  }
0x23: {  	[sflag:s20] =	ssyncset.done $0x0  }
0x24: {  	[sflag:s20] =	ssyncadd.s32 $0xFFFFC000  }
0x25: {  	[hbm4b:s15+s4] =	stream.linear.scatter [tilespmem:s22], [sflag:$0x3], $0x4000, $0x38;
	[tilespmem:$0x1F800] =	vst v63  }
0x26: {  	_ =	swait.ge [sflag:s20], $0x4000  }
0x27: {  	[sflag:s20] =	ssyncset.done $0x0  }
0x28: {  	[sflag:s20] =	ssyncadd.s32 $0xFFFFC000  }
0x29: {  	[tilespmem:s22], [sflag:$0x3] =	stream.linear.gather [spmem:s9], $0x4000, $0x38;
	[tilespmem:$0x1F800] =	vst v63  }
0x2a: {  	_ =	swait.ge [sflag:s20], $0x4000  }
0x2b: {  	[sflag:s20] =	ssyncset.done $0x0  }
0x2c: {  	[sflag:s20] =	ssyncadd.s32 $0xFFFFC000  }
0x2d: {  	[hbm4b:s16+s4] =	stream.linear.scatter [tilespmem:s22], [sflag:$0x3], $0x4000, $0x38;
	[tilespmem:$0x1F800] =	vst v63  }
0x2e: {  	_ =	swait.ge [sflag:s20], $0x4000  }
0x2f: {  	[sflag:s20] =	ssyncset.done $0x0  }
0x30: {  	[sflag:s20] =	ssyncadd.s32 $0xFFFFC000  }
0x31: {  	[tilespmem:s22], [sflag:$0x3] =	stream.linear.gather [spmem:s10], $0x4000, $0x38;
	[tilespmem:$0x1F800] =	vst v63  }
0x32: {  	_ =	swait.ge [sflag:s20], $0x4000  }
0x33: {  	[sflag:s20] =	ssyncset.done $0x0  }
0x34: {  	[sflag:s20] =	ssyncadd.s32 $0xFFFFC000  }
0x35: {  	[hbm4b:s17+s4] =	stream.linear.scatter [tilespmem:s22], [sflag:$0x3], $0x4000, $0x38;
	[tilespmem:$0x1F800] =	vst v63  }
0x36: {  	_ =	swait.ge [sflag:s20], $0x4000  }
0x37: {  	[sflag:s20] =	ssyncset.done $0x0  }
0x38: {  	[sflag:s20] =	ssyncadd.s32 $0xFFFFC000  }
0x39: {  	[tilespmem:s22], [sflag:$0x3] =	stream.linear.gather [spmem:s11], $0x3C00, $0x38;
	[tilespmem:$0x1F800] =	vst v63  }
0x3a: {  	s28 =	sadd.s32 $0x1, s28;
	_ =	swait.ge [sflag:s20], $0x3C00  }
0x3b: {  	p0 =	sne.s32 s28, s19;
	[sflag:s20] =	ssyncset.done $0x0  }
.Ltmp1:
0x3c: {  	[sflag:s20] =	ssyncadd.s32 $0xFFFFC400;
	(pc) =	sbr.rel @!p0 .LBB2_7-.Ltmp1, $4  }
0x3d: {  	[hbm4b:s18+s4] =	stream.linear.scatter [tilespmem:s22], [sflag:$0x3], $0x3C00, $0x38;
	[tilespmem:$0x1F800] =	vst v63  }
0x3e: {  	_ =	swait.ge [sflag:s20], $0x3C00  }
0x3f: {  	[sflag:s20] =	ssyncset.done $0x0  }
0x40: {  	[sflag:s20] =	ssyncadd.s32 $0xFFFFC400  }
.LBB2_1:
0x41: {  	s0 =	rddreg [dreg:$0x5]  }
0x42: {  	[tilespmem:s4], [sflag:$0x3] =	stream.linear.gather [hbm4b:s0+s4], $0x1400, $0x38;
	[tilespmem:$0x1F800] =	vst v63  }
0x43: {  	_ =	swait.ge [sflag:s20], $0x1400  }
0x44: {  	[sflag:s20] =	ssyncset.done $0x0  }
0x45: {  	s31 =	simm.s32 $0x2800;
	[sflag:s20] =	ssyncadd.s32 $0xFFFFEC00  }
0x46: {  	[tilespmem:s31], [sflag:$0x3] =	stream.linear.gather [hbm4b:s6+s4], $0x1400, $0x38;
	[tilespmem:$0x1F800] =	vst v63  }
0x47: {  	_ =	swait.ge [sflag:s20], $0x1400  }
0x48: {  	[sflag:s20] =	ssyncset.done $0x0  }
0x49: {  	s29 =	simm.s32 $0x200;
	s0 =	simm.s32 $0x0;
	[sflag:s20] =	ssyncadd.s32 $0xFFFFEC00  }
.LBB2_2:
0x4a: {  	p0 =	sne.s32 s29, $0xFE00;
	[tilespmem:s0+$0x3C70] =	vst v0  }
0x4b: {  	[tilespmem:s0+$0x3C00] =	vst v0  }
0x4c: {  	[tilespmem:s0+$0x3C10] =	vst v0  }
.Ltmp2:
0x4d: {  	[tilespmem:s0+$0x3C20] =	vst v0;
	(pc) =	sbr.rel @p0 .LBB2_2-.Ltmp2, $4  }
0x4e: {  	[tilespmem:s0+$0x3C30] =	vst v0  }
0x4f: {  	[tilespmem:s0+$0x3C40] =	vst v0  }
0x50: {  	[tilespmem:s0+$0x3C50] =	vst v0  }
0x51: {  	[tilespmem:s0+$0x3C60] =	vst v0;
	s0 =	sshra.s32 s29, $0x2;
	s29 =	sadd.s32 $0x200, s29  }
0x52: {  	[tilespmem:s0+$0x3C70] =	vst v0  }
0x53: {  	[tilespmem:s0+$0x3C00] =	vst v0  }
0x54: {  	[tilespmem:s0+$0x3C10] =	vst v0  }
0x55: {  	[tilespmem:s0+$0x3C20] =	vst v0  }
0x56: {  	[tilespmem:s0+$0x3C30] =	vst v0  }
0x57: {  	[tilespmem:s0+$0x3C40] =	vst v0  }
0x58: {  	[tilespmem:s0+$0x3C50] =	vst v0  }
0x59: {  	[tilespmem:s0+$0x3C60] =	vst v0  }
0x5a: {  	[spmem:s7] =	stream.linear.scatter [tilespmem:s22], [sflag:$0x3], $0x4000, $0x38;
	[tilespmem:$0x1F800] =	vst v63  }
0x5b: {  	_ =	swait.ge [sflag:s20], $0x4000  }
0x5c: {  	[sflag:s20] =	ssyncset.done $0x0  }
0x5d: {  	[sflag:s20] =	ssyncadd.s32 $0xFFFFC000  }
0x5e: {  	[spmem:s8] =	stream.linear.scatter [tilespmem:s22], [sflag:$0x3], $0x4000, $0x38;
	[tilespmem:$0x1F800] =	vst v63  }
0x5f: {  	_ =	swait.ge [sflag:s20], $0x4000  }
0x60: {  	[sflag:s20] =	ssyncset.done $0x0  }
0x61: {  	[sflag:s20] =	ssyncadd.s32 $0xFFFFC000  }
0x62: {  	[spmem:s9] =	stream.linear.scatter [tilespmem:s22], [sflag:$0x3], $0x4000, $0x38;
	[tilespmem:$0x1F800] =	vst v63  }
0x63: {  	_ =	swait.ge [sflag:s20], $0x4000  }
0x64: {  	[sflag:s20] =	ssyncset.done $0x0  }
0x65: {  	[sflag:s20] =	ssyncadd.s32 $0xFFFFC000  }
0x66: {  	[spmem:s10] =	stream.linear.scatter [tilespmem:s22], [sflag:$0x3], $0x4000, $0x38;
	[tilespmem:$0x1F800] =	vst v63  }
0x67: {  	_ =	swait.ge [sflag:s20], $0x4000  }
0x68: {  	[sflag:s20] =	ssyncset.done $0x0  }
0x69: {  	[sflag:s20] =	ssyncadd.s32 $0xFFFFC000  }
0x6a: {  	[spmem:s11] =	stream.linear.scatter [tilespmem:s22], [sflag:$0x3], $0x3C00, $0x38;
	[tilespmem:$0x1F800] =	vst v63  }
0x6b: {  	_ =	swait.ge [sflag:s20], $0x3C00  }
0x6c: {  	[sflag:s20] =	ssyncset.done $0x0  }
0x6d: {  	[sflag:s20] =	ssyncadd.s32 $0xFFFFC400  }
0x6e: {  	s0 =	simm.s32 $0x0;
	[bflag:$0x0] =	sbarrier.arrive $0xFFFF  }
0x6f: {  	[tilespmem:s22], [sflag:$0x1] =	stream.indirect.gather [hbm4b:s1+s23], $0x80, s0, s23, $0xb8;
	[tilespmem:$0x1F800] =	vst v63  }
0x70: {  	s29 =	simm.s32 $0x0;
	s30 =	simm.s32 $0x0  }
0x71: {  	[tilespmem:s24], [sflag:$0x2] =	stream.indirect.gather [hbm4b:s1+s23], $0x80, s23, s23, $0xb8;
	[tilespmem:$0x1F800] =	vst v63  }
.LBB2_4:
0x72: {  	_ =	swait.ge [sflag:s25], $0x4000  }
0x73: {  	p0 =	sne.s32 s0, $0x28;
	[sflag:s25] =	ssyncset.done $0x0  }
0x74: {  	s31 =	simm.s32 @!p0 $0x0;
	s3 =	simm.s32 @!p0 $0x2800;
	[sflag:s25] =	ssyncadd.s32 $0xFFFFC000  }
0x75: {  	[tilespmem:s3], [sflag:$0x3] =	stream.linear.gather @!p0 [hbm4b:s12+s31], $0x1400, $0x38;
	[tilespmem:$0x1F800] =	vst v63  }
0x76: {  	p1 =	slt.u32 s30, $0x14;
	s3 =	simm.s32 @!p0 $0x3;
	s31 =	sadd.s32 $0xFFFFB000, s29  }
0x77: {  	_ =	swait.ge @!p0 [sflag:s3], $0x1400;
	s31 =	smov.u32 @p1 s29  }
0x78: {  	[sflag:s3] =	ssyncset.done @!p0 $0x0;
	s31 =	sshra.s32 s31, $0x2  }
0x79: {  	[sflag:s3] =	ssyncadd.s32 @!p0 $0xFFFFEC00;
	s21 =	sadd.s32 $0x2800, s31;
	p0 =	seq.s32 s0, $0x4E  }
0x7a: {  	[spmem:s2] =	stream.indirect.scatter.add.f32 [tilespmem:s22], [sflag:$0x3], $0x80, s21, s23, $0xb8;
	[tilespmem:$0x1F800] =	vst v63  }
0x7b: {  	s31 =	sadd.s32 $0x2, s0;
	p2 =	sne.s32 @!p0 s0, $0x26;
	_ =	swait.ge [sflag:s20], $0x4000  }
0x7c: {  	s5 =	smul.u32 @!p0 $0xCD, s31;
	p2 =	por p2, p0;
	[sflag:s20] =	ssyncset.done $0x0  }
0x7d: {  	s3 =	simm.s32 @!p2 $0x0;
	s21 =	simm.s32 @!p2 $0x1400;
	[sflag:s20] =	ssyncadd.s32 $0xFFFFC000  }
0x7e: {  	[tilespmem:s21], [sflag:$0x3] =	stream.linear.gather @!p2 [hbm4b:s13+s3], $0x1400, $0x38;
	[tilespmem:$0x1F800] =	vst v63  }
0x7f: {  	s3 =	sshrl.u32 @!p0 s5, $0xD  }
0x80: {  	s3 =	sand.u32 @!p0 $0x7, s3  }
0x81: {  	s5 =	smul.u32 @!p0 $0x28, s3  }
0x82: {  	s21 =	simm.s32 @!p2 $0x3  }
0x83: {  	_ =	swait.ge @!p2 [sflag:s21], $0x1400;
	s3 =	smul.u32 @!p0 $0x5000, s3;
	s5 =	ssub.s32 @!p0 s31, s5  }
0x84: {  	[sflag:s21] =	ssyncset.done @!p2 $0x0;
	s5 =	sand.u32 @!p0 $0xFF, s5  }
0x85: {  	[sflag:s21] =	ssyncadd.s32 @!p2 $0xFFFFEC00;
	s3 =	sshrl.u32 @!p0 s3, $0x2;
	s5 =	sshll.u32 @!p0 s5, $0x7  }
0x86: {  	s21 =	simm.s32 @!p0 $0x3C00;
	s3 =	sadd.s32 @!p0 s5, s3;
	s5 =	simm.s32 @!p0 $0x80  }
0x87: {  	[tilespmem:s21], [sflag:$0x1] =	stream.indirect.gather @!p0 [hbm4b:s1+s5], $0x80, s3, s5, $0xb8;
	[tilespmem:$0x1F800] =	vst v63  }
0x88: {  	s3 =	simm.s32 $0x1  }
0x89: {  	s3 =	simm.s32 @!p1 $0xFFFFFFD9  }
0x8a: {  	s3 =	sadd.s32 s3, s0  }
0x8b: {  	_ =	swait.ge [sflag:s26], $0x4000;
	s3 =	sshll.u32 s3, $0x7  }
0x8c: {  	[sflag:s26] =	ssyncset.done $0x0;
	s3 =	sand.u32 $0x3FFFFF80, s3  }
.Ltmp3:
0x8d: {  	[sflag:s26] =	ssyncadd.s32 $0xFFFFC000;
	s3 =	sadd.s32 $0x2800, s3;
	(pc) =	sbr.rel @p0 .LBB2_6-.Ltmp3, $4  }
0x8e: {  	[spmem:s2] =	stream.indirect.scatter.add.f32 [tilespmem:s24], [sflag:$0x3], $0x80, s3, s23, $0xb8;
	[tilespmem:$0x1F800] =	vst v63  }
0x8f: {  	_ =	swait.ge [sflag:s20], $0x4000  }
0x90: {  	[sflag:s20] =	ssyncset.done $0x0  }
0x91: {  	[sflag:s20] =	ssyncadd.s32 $0xFFFFC000  }
0x92: {  	s0 =	sadd.s32 $0x3, s0  }
0x93: {  	s3 =	sand.u32 $0xFF, s0  }
0x94: {  	s3 =	smul.u32 $0xCD, s3;
	_ =	sdelay $0x1  }
0x95: {  	s3 =	sshrl.u32 s3, $0xD  }
0x96: {  	s5 =	smul.u32 $0x28, s3;
	_ =	sdelay $0x1  }
0x97: {  	s3 =	smul.u32 $0x5000, s3;
	s0 =	ssub.s32 s0, s5  }
.Ltmp4:
0x98: {  	s0 =	sand.u32 $0xFF, s0;
	(pc) =	sbr.rel .LBB2_4-.Ltmp4, $4  }
0x99: {  	s3 =	sshrl.u32 s3, $0x2;
	s0 =	sshll.u32 s0, $0x7  }
0x9a: {  	s0 =	sadd.s32 s0, s3  }
0x9b: {  	[tilespmem:s24], [sflag:$0x2] =	stream.indirect.gather [hbm4b:s1+s23], $0x80, s0, s23, $0xb8;
	[tilespmem:$0x1F800] =	vst v63  }
0x9c: {  	s30 =	sadd.s32 $0x1, s30;
	s29 =	sadd.s32 $0x400, s29;
	s0 =	smov.u32 s31  }
.LBB2_7:
0x9d: {  	_ =	sfence.sel $0x180000  }
0x9e: {  	[bflag:$0x0] =	sbarrier.arrive $0xFFFF  }
0x9f: {  	_ =	strace $0x90000047  }
0xa0: {  	s0 =	stileid.u32;
	[bflag:$0x2] =	sbarrier.arrive $0xFFFF  }
0xa1: {  	p0 =	sne.s32 s0, $0x0;
	s0 =	rddreg [dreg:$0x4]  }
0xa2: {  	s0 =	sadd.s32 @!p0 $0x100000, s0  }
0xa3: {  	[sflag:s0] =	ssyncadd.tile.s32 @!p0 $0x1;
	_ =	shalt  }
.Lfunc_end2:
_tile_overlayer_lowered:
.L_overlay_start_2:
0xa4: {  	(tag) =	ssettag $0x2  }
0xa5: {  	s0 =	rddreg [dreg:$0x0];
	s2 =	stileid.u32  }
0xa6: {  	s1 =	rddreg [dreg:$0x1];
	p0 =	sne.s32 s2, $0x0  }
0xa7: {  	s3 =	rddreg [dreg:$0x2];
	[bflag:$0x3] =	sbarrier.arrive $0xFFFF;
	s2 =	simm.s32 @!p0 $0x1C03  }
0xa8: {  	[timem:s3], [sflag:s2] =	dma.local @!p0 [hbm:s0], s1  }
0xa9: {  	s0 =	simm.s32 @!p0 $0x3  }
0xaa: {  	_ =	swait.ge @!p0 [sflag:s0], s1  }
0xab: {  	s1 =	ssub.s32 @!p0 $0x0, s1;
	[sflag:s0] =	ssyncset.done @!p0 $0x0  }
0xac: {  	[sflag:s0] =	ssyncadd.s32 @!p0 s1  }
0xad: {  	[bflag:$0x3] =	sbarrier.arrive $0xFFFF  }
0xae: {  	_ =	shalt  }

</sc_bundles>
